<compile_context>
chip_gen: v7x
topology: tpu7x:2x2x1
jax: 0.10.2.dev20260603
libtpu: 0.0.44.dev20260713+nightly
codegen_flags: <defaults>
</compile_context>

<pallas_src>
import functools

import jax
import jax.numpy as jnp
from jax import lax
from jax.experimental import pallas as pl
from jax.experimental.pallas import tpu as pltpu
from jax.experimental.pallas import tpu_sc as plsc

T = 2048
H = 768
E = 64
I = 1536
TM = 128
NTOT = 4736
NW = 32
TPW = T // NW



def _router_body(x_ref, gw_ref, d0_ref, d1_ref, w0_ref, w1_ref,
                 nb_ref, offs_ref, aux_ref, xp_ref):
    xf = x_ref[...]
    gw = gw_ref[...]
    lo = lax.bitcast_convert_type(
        xf[:, :H // 2].astype(jnp.bfloat16).astype(jnp.float32), jnp.int32)
    hi = lax.bitcast_convert_type(
        xf[:, H // 2:].astype(jnp.bfloat16).astype(jnp.float32), jnp.int32)
    xp_ref[...] = jnp.bitwise_or(
        lax.shift_right_logical(lo, 16),
        jnp.bitwise_and(hi, jnp.int32(-65536)))
    logits = lax.dot_general(xf, gw, (((1,), (1,)), ((), ())),
                             preferred_element_type=jnp.float32,
                             precision=lax.Precision.DEFAULT)
    m = jnp.max(logits, axis=1, keepdims=True)
    ex = jnp.exp(logits - m)
    probs = ex / jnp.sum(ex, axis=1, keepdims=True)

    ie = lax.broadcasted_iota(jnp.int32, (T, E), 1)
    m1 = jnp.max(probs, axis=1, keepdims=True)
    idx1 = jnp.min(jnp.where(probs == m1, ie, E), axis=1, keepdims=True)
    oh0 = (ie == idx1).astype(jnp.float32)
    pmask = jnp.where(ie == idx1, -1.0, probs)
    m2 = jnp.max(pmask, axis=1, keepdims=True)
    idx2 = jnp.min(jnp.where(pmask == m2, ie, E), axis=1, keepdims=True)
    oh1 = (ie == idx2).astype(jnp.float32)

    e2 = jnp.exp(m2 - m1)
    w0_ref[...] = 1.0 / (1.0 + e2)
    w1_ref[...] = e2 / (1.0 + e2)

    counts0 = jnp.sum(oh0, axis=0)
    counts1 = jnp.sum(oh1, axis=0)
    counts = counts0 + counts1
    pm = jnp.mean(probs, axis=0)
    aux_ref[...] = jnp.sum((counts / T) * pm).reshape(1, 1) * E

    ci = counts.astype(jnp.int32)
    c8 = ((ci + 7) // 8) * 8
    nb_ref[...] = (ci + TM - 1) // TM
    ier = lax.broadcasted_iota(jnp.int32, (E, E), 0)
    iec = lax.broadcasted_iota(jnp.int32, (E, E), 1)
    mtri = (ier < iec).astype(jnp.float32)
    offs_f = lax.dot_general(c8.astype(jnp.float32).reshape(1, E), mtri,
                             (((1,), (0,)), ((), ())),
                             preferred_element_type=jnp.float32)
    offs_ref[...] = offs_f.reshape(E).astype(jnp.int32)

    LB = 256
    ir = lax.broadcasted_iota(jnp.int32, (LB, LB), 0)
    ic = lax.broadcasted_iota(jnp.int32, (LB, LB), 1)
    atri = (ir > ic).astype(jnp.float32)

    def excl_cumsum(oh):
        parts = []
        prefix = jnp.zeros((1, E), jnp.float32)
        for b in range(T // LB):
            blk = oh[b * LB:(b + 1) * LB, :]
            within = lax.dot_general(atri, blk, (((1,), (0,)), ((), ())),
                                     preferred_element_type=jnp.float32)
            parts.append(within + prefix)
            prefix = prefix + jnp.sum(blk, axis=0, keepdims=True)
        return jnp.concatenate(parts, axis=0)

    rank0 = jnp.sum(excl_cumsum(oh0) * oh0, axis=1, keepdims=True)
    rank1 = jnp.sum(excl_cumsum(oh1) * oh1, axis=1, keepdims=True)
    offs_row = offs_f
    d0 = jnp.sum(oh0 * offs_row, axis=1, keepdims=True) + rank0
    d1 = jnp.sum(oh1 * (offs_row + counts0.reshape(1, E)), axis=1,
                 keepdims=True) + rank1
    d0_ref[...] = d0.astype(jnp.int32)
    d1_ref[...] = d1.astype(jnp.int32)


def _router(xf, gate_w, interpret=False):
    return pl.pallas_call(
        _router_body,
        out_shape=[
            jax.ShapeDtypeStruct((T, 1), jnp.int32),
            jax.ShapeDtypeStruct((T, 1), jnp.int32),
            jax.ShapeDtypeStruct((T, 1), jnp.float32),
            jax.ShapeDtypeStruct((T, 1), jnp.float32),
            jax.ShapeDtypeStruct((E,), jnp.int32),
            jax.ShapeDtypeStruct((E,), jnp.int32),
            jax.ShapeDtypeStruct((1, 1), jnp.float32),
            jax.ShapeDtypeStruct((T, H // 2), jnp.int32),
        ],
        interpret=interpret,
    )(xf, gate_w)



def _dispatch_sc(xp, d0, d1):
    HP = H // 2
    mesh = plsc.VectorSubcoreMesh(core_axis_name="c", subcore_axis_name="s",
                                  num_cores=2, num_subcores=16)

    @functools.partial(
        pl.kernel,
        out_type=jax.ShapeDtypeStruct((NTOT, HP), jnp.int32),
        mesh=mesh,
        scratch_types=[
            pltpu.VMEM((TPW,), jnp.int32),
            pltpu.VMEM((TPW,), jnp.int32),
            pltpu.VMEM((TPW, HP), jnp.int32),
            pltpu.SemaphoreType.DMA,
        ],
    )
    def k(xp_hbm, d0_hbm, d1_hbm, xs_hbm, i0_v, i1_v, rows_v, sem):
        wid = lax.axis_index("s") * 2 + lax.axis_index("c")
        base = wid * TPW
        pltpu.sync_copy(xp_hbm.at[pl.ds(base, TPW)], rows_v)
        pltpu.sync_copy(d0_hbm.at[pl.ds(base, TPW)], i0_v)
        pltpu.sync_copy(d1_hbm.at[pl.ds(base, TPW)], i1_v)
        pltpu.async_copy(rows_v, xs_hbm.at[i0_v], sem).wait()
        pltpu.async_copy(rows_v, xs_hbm.at[i1_v], sem).wait()

    return k(xp, d0, d1)



def _gemm_body(nb_ref, offs_ref, xs_ref, gw_ref, uw_ref, dw_ref, ys_ref):
    e = pl.program_id(0)
    n = nb_ref[e]
    off = offs_ref[e]
    gw = gw_ref[0]
    uw = uw_ref[0]
    dw = dw_ref[0]

    HP = H // 2

    def body(j, carry):
        st = pl.multiple_of(off + j * TM, 8)
        xi = xs_ref[pl.ds(st, TM), :]
        xlo = lax.bitcast_convert_type(
            lax.shift_left(xi, 16), jnp.float32)
        xhi = lax.bitcast_convert_type(
            jnp.bitwise_and(xi, jnp.int32(-65536)), jnp.float32)

        def two_k(w):
            return (lax.dot_general(xlo, w[:, :HP], (((1,), (1,)), ((), ())),
                                    preferred_element_type=jnp.float32) +
                    lax.dot_general(xhi, w[:, HP:], (((1,), (1,)), ((), ())),
                                    preferred_element_type=jnp.float32))

        g = two_k(gw)
        u = two_k(uw)
        hmid = (g * jax.nn.sigmoid(g)) * u
        o = lax.dot_general(hmid, dw, (((1,), (1,)), ((), ())),
                            preferred_element_type=jnp.float32)
        ys_ref[pl.ds(st, TM), :] = o
        return carry

    lax.fori_loop(0, n, body, 0)


def _gemm(nb, offs, xs, gate_proj_w, up_proj_w, down_proj_w, interpret=False):
    grid_spec = pltpu.PrefetchScalarGridSpec(
        num_scalar_prefetch=2,
        grid=(E,),
        in_specs=[
            pl.BlockSpec((NTOT, H // 2), lambda e, nb, offs: (0, 0)),
            pl.BlockSpec((1, I, H), lambda e, nb, offs: (e, 0, 0)),
            pl.BlockSpec((1, I, H), lambda e, nb, offs: (e, 0, 0)),
            pl.BlockSpec((1, H, I), lambda e, nb, offs: (e, 0, 0)),
        ],
        out_specs=pl.BlockSpec((NTOT, H), lambda e, nb, offs: (0, 0)),
    )
    return pl.pallas_call(
        _gemm_body,
        grid_spec=grid_spec,
        out_shape=jax.ShapeDtypeStruct((NTOT, H), jnp.float32),
        compiler_params=pltpu.CompilerParams(
            vmem_limit_bytes=64 * 1024 * 1024),
        interpret=interpret,
    )(nb, offs, xs, gate_proj_w, up_proj_w, down_proj_w)



def _gather_sc(ys, d0, d1):
    mesh = plsc.VectorSubcoreMesh(core_axis_name="c", subcore_axis_name="s",
                                  num_cores=2, num_subcores=16)

    @functools.partial(
        pl.kernel,
        out_type=[jax.ShapeDtypeStruct((T, H), jnp.float32),
                  jax.ShapeDtypeStruct((T, H), jnp.float32)],
        mesh=mesh,
        scratch_types=[
            pltpu.VMEM((TPW,), jnp.int32),
            pltpu.VMEM((TPW, H), jnp.float32),
            pltpu.SemaphoreType.DMA,
        ],
    )
    def k(ys_hbm, d0_hbm, d1_hbm, y0_hbm, y1_hbm, i_v, rows_v, sem):
        wid = lax.axis_index("s") * 2 + lax.axis_index("c")
        base = wid * TPW
        pltpu.sync_copy(d0_hbm.at[pl.ds(base, TPW)], i_v)
        pltpu.async_copy(ys_hbm.at[i_v], rows_v, sem).wait()
        pltpu.sync_copy(rows_v, y0_hbm.at[pl.ds(base, TPW)])
        pltpu.sync_copy(d1_hbm.at[pl.ds(base, TPW)], i_v)
        pltpu.async_copy(ys_hbm.at[i_v], rows_v, sem).wait()
        pltpu.sync_copy(rows_v, y1_hbm.at[pl.ds(base, TPW)])

    return k(ys, d0, d1)



def _combine_body(y0_ref, y1_ref, w0_ref, w1_ref, out_ref):
    out_ref[...] = w0_ref[...] * y0_ref[...] + w1_ref[...] * y1_ref[...]


def _combine(y0, y1, w0, w1, interpret=False):
    RB = 256
    return pl.pallas_call(
        _combine_body,
        grid=(T // RB,),
        in_specs=[
            pl.BlockSpec((RB, H), lambda i: (i, 0)),
            pl.BlockSpec((RB, H), lambda i: (i, 0)),
            pl.BlockSpec((RB, 1), lambda i: (i, 0)),
            pl.BlockSpec((RB, 1), lambda i: (i, 0)),
        ],
        out_specs=pl.BlockSpec((RB, H), lambda i: (i, 0)),
        out_shape=jax.ShapeDtypeStruct((T, H), jnp.float32),
        interpret=interpret,
    )(y0, y1, w0, w1)



def kernel(x, gate_w, gate_proj_w, up_proj_w, down_proj_w):
    b, s, h = x.shape
    xf = x.reshape(T, H)
    d0, d1, w0, w1, nb, offs, aux, xp = _router(xf, gate_w)
    d0f = d0.reshape(T)
    d1f = d1.reshape(T)
    xs = _dispatch_sc(xp, d0f, d1f)
    ys = _gemm(nb, offs, xs, gate_proj_w, up_proj_w, down_proj_w)
    y0, y1 = _gather_sc(ys, d0f, d1f)
    out = _combine(y0, y1, w0, w1)
    return out.reshape(b, s, h), aux.reshape(())

# --- scband reference (transcript-rebuilt; emitter-appended) ---
"""Pipeline reference for scband-mo-e-46660524703980 (READ-ONLY COPY).

The authoritative reference and input builder live on the scoring server;
editing this copy changes nothing except your own understanding.
"""

import jax, jax.numpy as jnp
import numpy as np

B, S, H = 1, 2048, 768
E = 64
K = 2
I = 1536


def setup_inputs(seed: int = 0) -> dict:
    key = jax.random.key(seed)
    ks = jax.random.split(key, 5)
    x = jax.random.normal(ks[0], (B, S, H), dtype=jnp.float32)
    gate_w = jax.random.normal(ks[1], (E, H), dtype=jnp.float32) * 0.02
    gate_proj_w = jax.random.normal(ks[2], (E, I, H), dtype=jnp.float32) * 0.02
    up_proj_w = jax.random.normal(ks[3], (E, I, H), dtype=jnp.float32) * 0.02
    down_proj_w = jax.random.normal(ks[4], (E, H, I), dtype=jnp.float32) * 0.02
    return {"x": x, "gate_w": gate_w, "gate_proj_w": gate_proj_w,
            "up_proj_w": up_proj_w, "down_proj_w": down_proj_w}


def reference(x, gate_w, gate_proj_w, up_proj_w, down_proj_w):
    b, s, h = x.shape
    xf = x.reshape(-1, h)
    T = xf.shape[0]
    # router
    router_logits = xf @ gate_w.T
    routing_probs = jax.nn.softmax(router_logits, axis=-1)
    routing_weights, selected_experts = jax.lax.top_k(routing_probs, K)
    routing_weights = jax.nn.softmax(routing_weights.astype(jnp.float32), axis=-1).astype(xf.dtype)
    # aux load-balancing loss
    expert_mask = jax.nn.one_hot(selected_experts, E, dtype=jnp.float32)  # [T, K, E]
    tokens_per_expert = expert_mask.sum(axis=0).sum(axis=0)
    fraction_of_tokens = tokens_per_expert / T
    prob_per_expert = routing_probs.mean(axis=0)
    aux_loss = (fraction_of_tokens * prob_per_expert).sum() * E
    # dispatch: masked dense per-expert MLP, accumulate contributions per (k, e)
    results = jnp.zeros_like(xf)
    for k in range(K):
        ids = selected_experts[:, k]
        w = routing_weights[:, k]
        for e in range(E):
            m = (ids == e)
            g = xf @ gate_proj_w[e].T
            u = xf @ up_proj_w[e].T
            o = (jax.nn.silu(g) * u) @ down_proj_w[e].T
            results = results + jnp.where(m[:, None], o * w[:, None], jnp.zeros_like(o))
    return results.reshape(b, s, h), aux_loss

if __name__ == "__main__":
    import jax
    _d = setup_inputs()
    print(jax.jit(kernel)(*tuple(_d.values())))

</pallas_src>

<mosaic_0001>
#map = affine_map<(d0, d1) -> (0, 0)>
#map1 = affine_map<(d0, d1) -> (0)>
module attributes {stable_mosaic.version = 14 : i64} {
  func.func @k(%arg0: i32, %arg1: i32, %arg2: memref<2048x384xi32, #tpu.memory_space<hbm>>, %arg3: memref<2048xi32, #tpu.memory_space<hbm>>, %arg4: memref<2048xi32, #tpu.memory_space<hbm>>, %arg5: memref<4736x384xi32, #tpu.memory_space<hbm>>, %arg6: memref<64xi32, #tpu.memory_space<vmem>>, %arg7: memref<64xi32, #tpu.memory_space<vmem>>, %arg8: memref<64x384xi32, #tpu.memory_space<vmem>>, %arg9: memref<!tpu.dma_semaphore, #tpu.memory_space<semaphore_mem>>) attributes {dimension_semantics = [#tpu.dimension_semantics<core_parallel>, #tpu.dimension_semantics<subcore_parallel>], iteration_bounds = array<i64: 2, 16>, scalar_prefetch = 0 : i64, scratch_operands = 4 : i64, tpu.core_type = #tpu.core_type<sc_vector_subcore>, window_params = [{transform_indices = #map}, {transform_indices = #map1}, {transform_indices = #map1}, {transform_indices = #map}]} {
    %mul3A = arith.constant 2 : i32
    %mul3A_0 = arith.muli %arg1, %mul3A : i32
    %add3A = arith.addi %mul3A_0, %arg0 : i32
    %mul3A_1 = arith.constant 64 : i32
    %mul3A_2 = arith.muli %add3A, %mul3A_1 : i32
    "tpu.region"() ({
      %run_scoped3A = tpu.sem_alloc : memref<!tpu.dma_semaphore, #tpu.memory_space<semaphore_mem>>
      %dma_start3A_13 = arith.constant 0 : i32
      %dma_start3A_14 = tpu.memref_slice %arg2[%mul3A_2, %dma_start3A_13] : memref<2048x384xi32, #tpu.memory_space<hbm>> -> memref<64x384xi32, #tpu.memory_space<hbm>>
      %dma_start3A_15 = arith.constant 0 : i32
      %dma_start3A_16 = tpu.memref_slice %arg2[%mul3A_2, %dma_start3A_15] : memref<2048x384xi32, #tpu.memory_space<hbm>> -> memref<64x384xi32, #tpu.memory_space<hbm>>
      tpu.enqueue_dma source(%dma_start3A_16 : memref<64x384xi32, #tpu.memory_space<hbm>>) target(%arg8 : memref<64x384xi32, #tpu.memory_space<vmem>>) target_semaphore(%run_scoped3A : memref<!tpu.dma_semaphore, #tpu.memory_space<semaphore_mem>>)
      %dma_wait3A_17 = arith.constant 0 : i32
      %dma_wait3A_18 = tpu.memref_slice %arg2[%mul3A_2, %dma_wait3A_17] : memref<2048x384xi32, #tpu.memory_space<hbm>> -> memref<64x384xi32, #tpu.memory_space<hbm>>
      %dma_wait3A_19 = arith.constant 0 : i32
      %dma_wait3A_20 = tpu.memref_slice %arg2[%mul3A_2, %dma_wait3A_19] : memref<2048x384xi32, #tpu.memory_space<hbm>> -> memref<64x384xi32, #tpu.memory_space<hbm>>
      tpu.wait_dma2 semaphore(%run_scoped3A : memref<!tpu.dma_semaphore, #tpu.memory_space<semaphore_mem>>) src(%dma_wait3A_20 : memref<64x384xi32, #tpu.memory_space<hbm>>) dst(%arg8 : memref<64x384xi32, #tpu.memory_space<vmem>>)
      tpu.yield
    }) : () -> ()
    "tpu.region"() ({
      %run_scoped3A = tpu.sem_alloc : memref<!tpu.dma_semaphore, #tpu.memory_space<semaphore_mem>>
      %dma_start3A_13 = tpu.memref_slice %arg3[%mul3A_2] : memref<2048xi32, #tpu.memory_space<hbm>> -> memref<64xi32, #tpu.memory_space<hbm>>
      %dma_start3A_14 = tpu.memref_slice %arg3[%mul3A_2] : memref<2048xi32, #tpu.memory_space<hbm>> -> memref<64xi32, #tpu.memory_space<hbm>>
      tpu.enqueue_dma source(%dma_start3A_14 : memref<64xi32, #tpu.memory_space<hbm>>) target(%arg6 : memref<64xi32, #tpu.memory_space<vmem>>) target_semaphore(%run_scoped3A : memref<!tpu.dma_semaphore, #tpu.memory_space<semaphore_mem>>)
      %dma_wait3A_15 = tpu.memref_slice %arg3[%mul3A_2] : memref<2048xi32, #tpu.memory_space<hbm>> -> memref<64xi32, #tpu.memory_space<hbm>>
      %dma_wait3A_16 = tpu.memref_slice %arg3[%mul3A_2] : memref<2048xi32, #tpu.memory_space<hbm>> -> memref<64xi32, #tpu.memory_space<hbm>>
      tpu.wait_dma2 semaphore(%run_scoped3A : memref<!tpu.dma_semaphore, #tpu.memory_space<semaphore_mem>>) src(%dma_wait3A_16 : memref<64xi32, #tpu.memory_space<hbm>>) dst(%arg6 : memref<64xi32, #tpu.memory_space<vmem>>)
      tpu.yield
    }) : () -> ()
    "tpu.region"() ({
      %run_scoped3A = tpu.sem_alloc : memref<!tpu.dma_semaphore, #tpu.memory_space<semaphore_mem>>
      %dma_start3A_13 = tpu.memref_slice %arg4[%mul3A_2] : memref<2048xi32, #tpu.memory_space<hbm>> -> memref<64xi32, #tpu.memory_space<hbm>>
      %dma_start3A_14 = tpu.memref_slice %arg4[%mul3A_2] : memref<2048xi32, #tpu.memory_space<hbm>> -> memref<64xi32, #tpu.memory_space<hbm>>
      tpu.enqueue_dma source(%dma_start3A_14 : memref<64xi32, #tpu.memory_space<hbm>>) target(%arg7 : memref<64xi32, #tpu.memory_space<vmem>>) target_semaphore(%run_scoped3A : memref<!tpu.dma_semaphore, #tpu.memory_space<semaphore_mem>>)
      %dma_wait3A_15 = tpu.memref_slice %arg4[%mul3A_2] : memref<2048xi32, #tpu.memory_space<hbm>> -> memref<64xi32, #tpu.memory_space<hbm>>
      %dma_wait3A_16 = tpu.memref_slice %arg4[%mul3A_2] : memref<2048xi32, #tpu.memory_space<hbm>> -> memref<64xi32, #tpu.memory_space<hbm>>
      tpu.wait_dma2 semaphore(%run_scoped3A : memref<!tpu.dma_semaphore, #tpu.memory_space<semaphore_mem>>) src(%dma_wait3A_16 : memref<64xi32, #tpu.memory_space<hbm>>) dst(%arg7 : memref<64xi32, #tpu.memory_space<vmem>>)
      tpu.yield
    }) : () -> ()
    %dma_start3A = arith.constant 0 : i32
    %dma_start3A_3 = arith.constant 0 : i32
    %dma_start3A_4 = tpu.memref_slice %arg5[%dma_start3A, %dma_start3A_3] : memref<4736x384xi32, #tpu.memory_space<hbm>> -> memref<4736x384xi32, #tpu.memory_space<hbm>>
    tpu.enqueue_indirect_dma source(%arg8 : memref<64x384xi32, #tpu.memory_space<vmem>>) target(%dma_start3A_4 : memref<4736x384xi32, #tpu.memory_space<hbm>>) offsets(%arg6 : memref<64xi32, #tpu.memory_space<vmem>>) semaphore(%arg9 : memref<!tpu.dma_semaphore, #tpu.memory_space<semaphore_mem>>)
    %dma_wait3A = arith.constant 0 : i32
    %dma_wait3A_5 = arith.constant 0 : i32
    %dma_wait3A_6 = tpu.memref_slice %arg5[%dma_wait3A, %dma_wait3A_5] : memref<4736x384xi32, #tpu.memory_space<hbm>> -> memref<4736x384xi32, #tpu.memory_space<hbm>>
    tpu.wait_indirect_dma semaphore(%arg9 : memref<!tpu.dma_semaphore, #tpu.memory_space<semaphore_mem>>) src(%arg8 : memref<64x384xi32, #tpu.memory_space<vmem>>) dst(%dma_wait3A_6 : memref<4736x384xi32, #tpu.memory_space<hbm>>)
    %dma_start3A_7 = arith.constant 0 : i32
    %dma_start3A_8 = arith.constant 0 : i32
    %dma_start3A_9 = tpu.memref_slice %arg5[%dma_start3A_7, %dma_start3A_8] : memref<4736x384xi32, #tpu.memory_space<hbm>> -> memref<4736x384xi32, #tpu.memory_space<hbm>>
    tpu.enqueue_indirect_dma source(%arg8 : memref<64x384xi32, #tpu.memory_space<vmem>>) target(%dma_start3A_9 : memref<4736x384xi32, #tpu.memory_space<hbm>>) offsets(%arg7 : memref<64xi32, #tpu.memory_space<vmem>>) semaphore(%arg9 : memref<!tpu.dma_semaphore, #tpu.memory_space<semaphore_mem>>)
    %dma_wait3A_10 = arith.constant 0 : i32
    %dma_wait3A_11 = arith.constant 0 : i32
    %dma_wait3A_12 = tpu.memref_slice %arg5[%dma_wait3A_10, %dma_wait3A_11] : memref<4736x384xi32, #tpu.memory_space<hbm>> -> memref<4736x384xi32, #tpu.memory_space<hbm>>
    tpu.wait_indirect_dma semaphore(%arg9 : memref<!tpu.dma_semaphore, #tpu.memory_space<semaphore_mem>>) src(%arg8 : memref<64x384xi32, #tpu.memory_space<vmem>>) dst(%dma_wait3A_12 : memref<4736x384xi32, #tpu.memory_space<hbm>>)
    return
  }
}

#map = affine_map<(d0, d1) -> (0, 0)>
#map1 = affine_map<(d0, d1) -> (0)>
module attributes {stable_mosaic.version = 14 : i64} {
  func.func @k(%arg0: i32, %arg1: i32, %arg2: memref<4736x768xf32, #tpu.memory_space<hbm>>, %arg3: memref<2048xi32, #tpu.memory_space<hbm>>, %arg4: memref<2048xi32, #tpu.memory_space<hbm>>, %arg5: memref<2048x768xf32, #tpu.memory_space<hbm>>, %arg6: memref<2048x768xf32, #tpu.memory_space<hbm>>, %arg7: memref<64xi32, #tpu.memory_space<vmem>>, %arg8: memref<64x768xf32, #tpu.memory_space<vmem>>, %arg9: memref<!tpu.dma_semaphore, #tpu.memory_space<semaphore_mem>>) attributes {dimension_semantics = [#tpu.dimension_semantics<core_parallel>, #tpu.dimension_semantics<subcore_parallel>], iteration_bounds = array<i64: 2, 16>, scalar_prefetch = 0 : i64, scratch_operands = 3 : i64, tpu.core_type = #tpu.core_type<sc_vector_subcore>, window_params = [{transform_indices = #map}, {transform_indices = #map1}, {transform_indices = #map1}, {transform_indices = #map}, {transform_indices = #map}]} {
    %mul3A = arith.constant 2 : i32
    %mul3A_0 = arith.muli %arg1, %mul3A : i32
    %add3A = arith.addi %mul3A_0, %arg0 : i32
    %mul3A_1 = arith.constant 64 : i32
    %mul3A_2 = arith.muli %add3A, %mul3A_1 : i32
    "tpu.region"() ({
      %run_scoped3A = tpu.sem_alloc : memref<!tpu.dma_semaphore, #tpu.memory_space<semaphore_mem>>
      %dma_start3A_13 = tpu.memref_slice %arg3[%mul3A_2] : memref<2048xi32, #tpu.memory_space<hbm>> -> memref<64xi32, #tpu.memory_space<hbm>>
      %dma_start3A_14 = tpu.memref_slice %arg3[%mul3A_2] : memref<2048xi32, #tpu.memory_space<hbm>> -> memref<64xi32, #tpu.memory_space<hbm>>
      tpu.enqueue_dma source(%dma_start3A_14 : memref<64xi32, #tpu.memory_space<hbm>>) target(%arg7 : memref<64xi32, #tpu.memory_space<vmem>>) target_semaphore(%run_scoped3A : memref<!tpu.dma_semaphore, #tpu.memory_space<semaphore_mem>>)
      %dma_wait3A_15 = tpu.memref_slice %arg3[%mul3A_2] : memref<2048xi32, #tpu.memory_space<hbm>> -> memref<64xi32, #tpu.memory_space<hbm>>
      %dma_wait3A_16 = tpu.memref_slice %arg3[%mul3A_2] : memref<2048xi32, #tpu.memory_space<hbm>> -> memref<64xi32, #tpu.memory_space<hbm>>
      tpu.wait_dma2 semaphore(%run_scoped3A : memref<!tpu.dma_semaphore, #tpu.memory_space<semaphore_mem>>) src(%dma_wait3A_16 : memref<64xi32, #tpu.memory_space<hbm>>) dst(%arg7 : memref<64xi32, #tpu.memory_space<vmem>>)
      tpu.yield
    }) : () -> ()
    %dma_start3A = arith.constant 0 : i32
    %dma_start3A_3 = arith.constant 0 : i32
    %dma_start3A_4 = tpu.memref_slice %arg2[%dma_start3A, %dma_start3A_3] : memref<4736x768xf32, #tpu.memory_space<hbm>> -> memref<4736x768xf32, #tpu.memory_space<hbm>>
    tpu.enqueue_indirect_dma source(%dma_start3A_4 : memref<4736x768xf32, #tpu.memory_space<hbm>>) target(%arg8 : memref<64x768xf32, #tpu.memory_space<vmem>>) offsets(%arg7 : memref<64xi32, #tpu.memory_space<vmem>>) semaphore(%arg9 : memref<!tpu.dma_semaphore, #tpu.memory_space<semaphore_mem>>)
    %dma_wait3A = arith.constant 0 : i32
    %dma_wait3A_5 = arith.constant 0 : i32
    %dma_wait3A_6 = tpu.memref_slice %arg2[%dma_wait3A, %dma_wait3A_5] : memref<4736x768xf32, #tpu.memory_space<hbm>> -> memref<4736x768xf32, #tpu.memory_space<hbm>>
    tpu.wait_indirect_dma semaphore(%arg9 : memref<!tpu.dma_semaphore, #tpu.memory_space<semaphore_mem>>) src(%dma_wait3A_6 : memref<4736x768xf32, #tpu.memory_space<hbm>>) dst(%arg8 : memref<64x768xf32, #tpu.memory_space<vmem>>)
    "tpu.region"() ({
      %run_scoped3A = tpu.sem_alloc : memref<!tpu.dma_semaphore, #tpu.memory_space<semaphore_mem>>
      %dma_start3A_13 = arith.constant 0 : i32
      %dma_start3A_14 = tpu.memref_slice %arg5[%mul3A_2, %dma_start3A_13] : memref<2048x768xf32, #tpu.memory_space<hbm>> -> memref<64x768xf32, #tpu.memory_space<hbm>>
      %dma_start3A_15 = arith.constant 0 : i32
      %dma_start3A_16 = tpu.memref_slice %arg5[%mul3A_2, %dma_start3A_15] : memref<2048x768xf32, #tpu.memory_space<hbm>> -> memref<64x768xf32, #tpu.memory_space<hbm>>
      tpu.enqueue_dma source(%arg8 : memref<64x768xf32, #tpu.memory_space<vmem>>) target(%dma_start3A_16 : memref<64x768xf32, #tpu.memory_space<hbm>>) target_semaphore(%run_scoped3A : memref<!tpu.dma_semaphore, #tpu.memory_space<semaphore_mem>>)
      %dma_wait3A_17 = arith.constant 0 : i32
      %dma_wait3A_18 = tpu.memref_slice %arg5[%mul3A_2, %dma_wait3A_17] : memref<2048x768xf32, #tpu.memory_space<hbm>> -> memref<64x768xf32, #tpu.memory_space<hbm>>
      %dma_wait3A_19 = arith.constant 0 : i32
      %dma_wait3A_20 = tpu.memref_slice %arg5[%mul3A_2, %dma_wait3A_19] : memref<2048x768xf32, #tpu.memory_space<hbm>> -> memref<64x768xf32, #tpu.memory_space<hbm>>
      tpu.wait_dma2 semaphore(%run_scoped3A : memref<!tpu.dma_semaphore, #tpu.memory_space<semaphore_mem>>) src(%arg8 : memref<64x768xf32, #tpu.memory_space<vmem>>) dst(%dma_wait3A_20 : memref<64x768xf32, #tpu.memory_space<hbm>>)
      tpu.yield
    }) : () -> ()
    "tpu.region"() ({
      %run_scoped3A = tpu.sem_alloc : memref<!tpu.dma_semaphore, #tpu.memory_space<semaphore_mem>>
      %dma_start3A_13 = tpu.memref_slice %arg4[%mul3A_2] : memref<2048xi32, #tpu.memory_space<hbm>> -> memref<64xi32, #tpu.memory_space<hbm>>
      %dma_start3A_14 = tpu.memref_slice %arg4[%mul3A_2] : memref<2048xi32, #tpu.memory_space<hbm>> -> memref<64xi32, #tpu.memory_space<hbm>>
      tpu.enqueue_dma source(%dma_start3A_14 : memref<64xi32, #tpu.memory_space<hbm>>) target(%arg7 : memref<64xi32, #tpu.memory_space<vmem>>) target_semaphore(%run_scoped3A : memref<!tpu.dma_semaphore, #tpu.memory_space<semaphore_mem>>)
      %dma_wait3A_15 = tpu.memref_slice %arg4[%mul3A_2] : memref<2048xi32, #tpu.memory_space<hbm>> -> memref<64xi32, #tpu.memory_space<hbm>>
      %dma_wait3A_16 = tpu.memref_slice %arg4[%mul3A_2] : memref<2048xi32, #tpu.memory_space<hbm>> -> memref<64xi32, #tpu.memory_space<hbm>>
      tpu.wait_dma2 semaphore(%run_scoped3A : memref<!tpu.dma_semaphore, #tpu.memory_space<semaphore_mem>>) src(%dma_wait3A_16 : memref<64xi32, #tpu.memory_space<hbm>>) dst(%arg7 : memref<64xi32, #tpu.memory_space<vmem>>)
      tpu.yield
    }) : () -> ()
    %dma_start3A_7 = arith.constant 0 : i32
    %dma_start3A_8 = arith.constant 0 : i32
    %dma_start3A_9 = tpu.memref_slice %arg2[%dma_start3A_7, %dma_start3A_8] : memref<4736x768xf32, #tpu.memory_space<hbm>> -> memref<4736x768xf32, #tpu.memory_space<hbm>>
    tpu.enqueue_indirect_dma source(%dma_start3A_9 : memref<4736x768xf32, #tpu.memory_space<hbm>>) target(%arg8 : memref<64x768xf32, #tpu.memory_space<vmem>>) offsets(%arg7 : memref<64xi32, #tpu.memory_space<vmem>>) semaphore(%arg9 : memref<!tpu.dma_semaphore, #tpu.memory_space<semaphore_mem>>)
    %dma_wait3A_10 = arith.constant 0 : i32
    %dma_wait3A_11 = arith.constant 0 : i32
    %dma_wait3A_12 = tpu.memref_slice %arg2[%dma_wait3A_10, %dma_wait3A_11] : memref<4736x768xf32, #tpu.memory_space<hbm>> -> memref<4736x768xf32, #tpu.memory_space<hbm>>
    tpu.wait_indirect_dma semaphore(%arg9 : memref<!tpu.dma_semaphore, #tpu.memory_space<semaphore_mem>>) src(%dma_wait3A_12 : memref<4736x768xf32, #tpu.memory_space<hbm>>) dst(%arg8 : memref<64x768xf32, #tpu.memory_space<vmem>>)
    "tpu.region"() ({
      %run_scoped3A = tpu.sem_alloc : memref<!tpu.dma_semaphore, #tpu.memory_space<semaphore_mem>>
      %dma_start3A_13 = arith.constant 0 : i32
      %dma_start3A_14 = tpu.memref_slice %arg6[%mul3A_2, %dma_start3A_13] : memref<2048x768xf32, #tpu.memory_space<hbm>> -> memref<64x768xf32, #tpu.memory_space<hbm>>
      %dma_start3A_15 = arith.constant 0 : i32
      %dma_start3A_16 = tpu.memref_slice %arg6[%mul3A_2, %dma_start3A_15] : memref<2048x768xf32, #tpu.memory_space<hbm>> -> memref<64x768xf32, #tpu.memory_space<hbm>>
      tpu.enqueue_dma source(%arg8 : memref<64x768xf32, #tpu.memory_space<vmem>>) target(%dma_start3A_16 : memref<64x768xf32, #tpu.memory_space<hbm>>) target_semaphore(%run_scoped3A : memref<!tpu.dma_semaphore, #tpu.memory_space<semaphore_mem>>)
      %dma_wait3A_17 = arith.constant 0 : i32
      %dma_wait3A_18 = tpu.memref_slice %arg6[%mul3A_2, %dma_wait3A_17] : memref<2048x768xf32, #tpu.memory_space<hbm>> -> memref<64x768xf32, #tpu.memory_space<hbm>>
      %dma_wait3A_19 = arith.constant 0 : i32
      %dma_wait3A_20 = tpu.memref_slice %arg6[%mul3A_2, %dma_wait3A_19] : memref<2048x768xf32, #tpu.memory_space<hbm>> -> memref<64x768xf32, #tpu.memory_space<hbm>>
      tpu.wait_dma2 semaphore(%run_scoped3A : memref<!tpu.dma_semaphore, #tpu.memory_space<semaphore_mem>>) src(%arg8 : memref<64x768xf32, #tpu.memory_space<vmem>>) dst(%dma_wait3A_20 : memref<64x768xf32, #tpu.memory_space<hbm>>)
      tpu.yield
    }) : () -> ()
    return
  }
}

module attributes {stable_mosaic.version = 14 : i64} {
  func.func @_combine_body(%arg0: i32, %arg1: memref<256x768xf32, #tpu.memory_space<vmem>>, %arg2: memref<256x768xf32, #tpu.memory_space<vmem>>, %arg3: memref<256x1xf32, #tpu.memory_space<vmem>>, %arg4: memref<256x1xf32, #tpu.memory_space<vmem>>, %arg5: memref<256x768xf32, #tpu.memory_space<vmem>>) attributes {dimension_semantics = [#tpu.dimension_semantics<arbitrary>], iteration_bounds = array<i64: 8>, scalar_prefetch = 0 : i64, scratch_operands = 0 : i64, tpu.core_type = #tpu.core_type<tc>, window_params = [{transform_indices = @transform_0, window_bounds = array<i64: 256, 768>}, {transform_indices = @transform_1, window_bounds = array<i64: 256, 768>}, {transform_indices = @transform_2, window_bounds = array<i64: 256, 1>}, {transform_indices = @transform_3, window_bounds = array<i64: 256, 1>}, {transform_indices = @transform_4, window_bounds = array<i64: 256, 768>}]} {
    %get3A = arith.constant 0 : index
    %get3A_0 = arith.constant 0 : index
    %get3A_1 = vector.load %arg3[%get3A, %get3A_0] : memref<256x1xf32, #tpu.memory_space<vmem>>, vector<256x1xf32>
    %get3A_2 = arith.constant 0 : index
    %get3A_3 = arith.constant 0 : index
    %get3A_4 = vector.load %arg1[%get3A_2, %get3A_3] : memref<256x768xf32, #tpu.memory_space<vmem>>, vector<256x768xf32>
    %mul3A = vector.broadcast %get3A_1 : vector<256x1xf32> to vector<256x768xf32>
    %mul3A_5 = arith.mulf %mul3A, %get3A_4 : vector<256x768xf32>
    %get3A_6 = arith.constant 0 : index
    %get3A_7 = arith.constant 0 : index
    %get3A_8 = vector.load %arg4[%get3A_6, %get3A_7] : memref<256x1xf32, #tpu.memory_space<vmem>>, vector<256x1xf32>
    %get3A_9 = arith.constant 0 : index
    %get3A_10 = arith.constant 0 : index
    %get3A_11 = vector.load %arg2[%get3A_9, %get3A_10] : memref<256x768xf32, #tpu.memory_space<vmem>>, vector<256x768xf32>
    %mul3A_12 = vector.broadcast %get3A_8 : vector<256x1xf32> to vector<256x768xf32>
    %mul3A_13 = arith.mulf %mul3A_12, %get3A_11 : vector<256x768xf32>
    %add3A = arith.addf %mul3A_5, %mul3A_13 : vector<256x768xf32>
    %swap3A = arith.constant 0 : index
    %swap3A_14 = arith.constant 0 : index
    %swap3A_15 = vector.load %arg5[%swap3A, %swap3A_14] : memref<256x768xf32, #tpu.memory_space<vmem>>, vector<256x768xf32>
    tpu.vector_store %arg5[%swap3A, %swap3A_14], %add3A {strides = array<i32>} : memref<256x768xf32, #tpu.memory_space<vmem>>, vector<256x768xf32>,
    return
  }
  func.func @transform_0(%arg0: i32) -> (i32, i32) {
    %c0_i32 = arith.constant 0 : i32
    %c0_i32_0 = arith.constant 0 : i32
    return %arg0, %c0_i32 : i32, i32
  }
  func.func @transform_1(%arg0: i32) -> (i32, i32) {
    %c0_i32 = arith.constant 0 : i32
    %c0_i32_0 = arith.constant 0 : i32
    return %arg0, %c0_i32 : i32, i32
  }
  func.func @transform_2(%arg0: i32) -> (i32, i32) {
    %c0_i32 = arith.constant 0 : i32
    %c0_i32_0 = arith.constant 0 : i32
    return %arg0, %c0_i32 : i32, i32
  }
  func.func @transform_3(%arg0: i32) -> (i32, i32) {
    %c0_i32 = arith.constant 0 : i32
    %c0_i32_0 = arith.constant 0 : i32
    return %arg0, %c0_i32 : i32, i32
  }
  func.func @transform_4(%arg0: i32) -> (i32, i32) {
    %c0_i32 = arith.constant 0 : i32
    %c0_i32_0 = arith.constant 0 : i32
    return %arg0, %c0_i32 : i32, i32
  }
}

module attributes {stable_mosaic.version = 14 : i64} {
  func.func @_gemm_body(%arg0: i32, %arg1: memref<64xi32, #tpu.memory_space<smem>>, %arg2: memref<64xi32, #tpu.memory_space<smem>>, %arg3: memref<4736x384xi32, #tpu.memory_space<vmem>>, %arg4: memref<1x1536x768xf32, #tpu.memory_space<vmem>>, %arg5: memref<1x1536x768xf32, #tpu.memory_space<vmem>>, %arg6: memref<1x768x1536xf32, #tpu.memory_space<vmem>>, %arg7: memref<4736x768xf32, #tpu.memory_space<vmem>>) attributes {dimension_semantics = [#tpu.dimension_semantics<arbitrary>], iteration_bounds = array<i64: 64>, scalar_prefetch = 2 : i64, scratch_operands = 0 : i64, tpu.core_type = #tpu.core_type<tc>, window_params = [{pipeline_mode = #tpu.pipeline_mode<synchronous>, transform_indices = @transform_0, window_bounds = array<i64: 4736, 384>}, {transform_indices = @transform_1, window_bounds = array<i64: 1, 1536, 768>}, {transform_indices = @transform_2, window_bounds = array<i64: 1, 1536, 768>}, {transform_indices = @transform_3, window_bounds = array<i64: 1, 768, 1536>}, {pipeline_mode = #tpu.pipeline_mode<synchronous>, transform_indices = @transform_4, window_bounds = array<i64: 4736, 768>}]} {
    %get3A = arith.index_cast %arg0 : i32 to index
    %get3A_0 = memref.load %arg1[%get3A] : memref<64xi32, #tpu.memory_space<smem>>
    %get3A_1 = arith.index_cast %arg0 : i32 to index
    %get3A_2 = memref.load %arg2[%get3A_1] : memref<64xi32, #tpu.memory_space<smem>>
    %get3A_3 = arith.constant 0 : index
    %get3A_4 = arith.constant 0 : index
    %get3A_5 = arith.constant 0 : index
    %get3A_6 = vector.load %arg4[%get3A_3, %get3A_4, %get3A_5] : memref<1x1536x768xf32, #tpu.memory_space<vmem>>, vector<1x1536x768xf32>
    %get3A_7 = vector.shape_cast %get3A_6 : vector<1x1536x768xf32> to vector<1536x768xf32>
    %get3A_8 = arith.constant 0 : index
    %get3A_9 = arith.constant 0 : index
    %get3A_10 = arith.constant 0 : index
    %get3A_11 = vector.load %arg5[%get3A_8, %get3A_9, %get3A_10] : memref<1x1536x768xf32, #tpu.memory_space<vmem>>, vector<1x1536x768xf32>
    %get3A_12 = vector.shape_cast %get3A_11 : vector<1x1536x768xf32> to vector<1536x768xf32>
    %get3A_13 = arith.constant 0 : index
    %get3A_14 = arith.constant 0 : index
    %get3A_15 = arith.constant 0 : index
    %get3A_16 = vector.load %arg6[%get3A_13, %get3A_14, %get3A_15] : memref<1x768x1536xf32, #tpu.memory_space<vmem>>, vector<1x768x1536xf32>
    %get3A_17 = vector.shape_cast %get3A_16 : vector<1x768x1536xf32> to vector<768x1536xf32>
    %while3A = arith.constant 0 : i32
    %while3A_18 = arith.constant 0 : i32
    %while3A_19 = arith.subi %get3A_0, %while3A_18 : i32
    %while3A_20 = arith.addi %while3A_18, %while3A_19 : i32
    %while3A_21 = arith.constant 1 : i32
    %while3A_22 = arith.divsi %while3A_19, %while3A_21 : i32
    %while3A_23 = arith.muli %while3A_22, %while3A_21 : i32
    %while3A_24 = arith.addi %while3A_18, %while3A_23 : i32
    %while3A_25 = arith.constant 1 : i32
    scf.for %while3A_27 = %while3A_18 to %while3A_24 step %while3A_25  : i32 {
      %mul3A = arith.constant 128 : i32
      %mul3A_28 = arith.muli %while3A_27, %mul3A : i32
      %add3A = arith.addi %get3A_2, %mul3A_28 : i32
      %multiple_of3A = tpu.assume_multiple %add3A, 8 : i32
      %get3A_29 = arith.index_cast %multiple_of3A : i32 to index
      %get3A_30 = arith.constant 0 : index
      %get3A_31 = vector.load %arg3[%get3A_29, %get3A_30] : memref<4736x384xi32, #tpu.memory_space<vmem>>, vector<128x384xi32>
      %shift_left3A = arith.constant 16 : i32
      %shift_left3A_32 = vector.broadcast %shift_left3A : i32 to vector<128x384xi32>
      %shift_left3A_33 = arith.shli %get3A_31, %shift_left3A_32 : vector<128x384xi32>
      %bitcast_convert_type3A = tpu.bitcast %shift_left3A_33 : vector<128x384xi32> -> vector<128x384xf32>
      %and3A = arith.constant -65536 : i32
      %and3A_34 = vector.broadcast %and3A : i32 to vector<128x384xi32>
      %and3A_35 = arith.andi %get3A_31, %and3A_34 : vector<128x384xi32>
      %bitcast_convert_type3A_36 = tpu.bitcast %and3A_35 : vector<128x384xi32> -> vector<128x384xf32>
      %slice3A = vector.extract_strided_slice %get3A_7 {offsets = [0, 0], sizes = [1536, 384], strides = [1, 1]} : vector<1536x768xf32> to vector<1536x384xf32>
      %dot_general3A = arith.constant dense<0.000000e+00> : vector<128x1536xf32>
      %dot_general3A_37 = tpu.matmul %bitcast_convert_type3A, %slice3A, %dot_general3A {dimension_numbers = #tpu.dot_dimension_numbers<[1], [1], [0], [0], [0, 0, 1, 0], [], []>, transpose_lhs_hint = false} : vector<128x384xf32>, vector<1536x384xf32>, vector<128x1536xf32> -> vector<128x1536xf32>
      %slice3A_38 = vector.extract_strided_slice %get3A_7 {offsets = [0, 384], sizes = [1536, 384], strides = [1, 1]} : vector<1536x768xf32> to vector<1536x384xf32>
      %dot_general3A_39 = arith.constant dense<0.000000e+00> : vector<128x1536xf32>
      %dot_general3A_40 = tpu.matmul %bitcast_convert_type3A_36, %slice3A_38, %dot_general3A_39 {dimension_numbers = #tpu.dot_dimension_numbers<[1], [1], [0], [0], [0, 0, 1, 0], [], []>, transpose_lhs_hint = false} : vector<128x384xf32>, vector<1536x384xf32>, vector<128x1536xf32> -> vector<128x1536xf32>
      %add3A_41 = arith.addf %dot_general3A_37, %dot_general3A_40 : vector<128x1536xf32>
      %slice3A_42 = vector.extract_strided_slice %get3A_12 {offsets = [0, 0], sizes = [1536, 384], strides = [1, 1]} : vector<1536x768xf32> to vector<1536x384xf32>
      %dot_general3A_43 = arith.constant dense<0.000000e+00> : vector<128x1536xf32>
      %dot_general3A_44 = tpu.matmul %bitcast_convert_type3A, %slice3A_42, %dot_general3A_43 {dimension_numbers = #tpu.dot_dimension_numbers<[1], [1], [0], [0], [0, 0, 1, 0], [], []>, transpose_lhs_hint = false} : vector<128x384xf32>, vector<1536x384xf32>, vector<128x1536xf32> -> vector<128x1536xf32>
      %slice3A_45 = vector.extract_strided_slice %get3A_12 {offsets = [0, 384], sizes = [1536, 384], strides = [1, 1]} : vector<1536x768xf32> to vector<1536x384xf32>
      %dot_general3A_46 = arith.constant dense<0.000000e+00> : vector<128x1536xf32>
      %dot_general3A_47 = tpu.matmul %bitcast_convert_type3A_36, %slice3A_45, %dot_general3A_46 {dimension_numbers = #tpu.dot_dimension_numbers<[1], [1], [0], [0], [0, 0, 1, 0], [], []>, transpose_lhs_hint = false} : vector<128x384xf32>, vector<1536x384xf32>, vector<128x1536xf32> -> vector<128x1536xf32>
      %add3A_48 = arith.addf %dot_general3A_44, %dot_general3A_47 : vector<128x1536xf32>
      %logistic3A = arith.negf %add3A_41 : vector<128x1536xf32>
      %logistic3A_49 = math.exp %logistic3A : vector<128x1536xf32>
      %logistic3A_50 = arith.constant 1.000000e+00 : f32
      %logistic3A_51 = vector.broadcast %logistic3A_50 : f32 to vector<128x1536xf32>
      %logistic3A_52 = arith.addf %logistic3A_51, %logistic3A_49 : vector<128x1536xf32>
      %logistic3A_53 = arith.divf %logistic3A_51, %logistic3A_52 : vector<128x1536xf32>
      %mul3A_54 = arith.mulf %add3A_41, %logistic3A_53 : vector<128x1536xf32>
      %mul3A_55 = arith.mulf %mul3A_54, %add3A_48 : vector<128x1536xf32>
      %dot_general3A_56 = arith.constant dense<0.000000e+00> : vector<128x768xf32>
      %dot_general3A_57 = tpu.matmul %mul3A_55, %get3A_17, %dot_general3A_56 {dimension_numbers = #tpu.dot_dimension_numbers<[1], [1], [0], [0], [0, 0, 1, 0], [], []>, transpose_lhs_hint = false} : vector<128x1536xf32>, vector<768x1536xf32>, vector<128x768xf32> -> vector<128x768xf32>
      %swap3A = arith.index_cast %multiple_of3A : i32 to index
      %swap3A_58 = arith.constant 0 : index
      %swap3A_59 = vector.load %arg7[%swap3A, %swap3A_58] : memref<4736x768xf32, #tpu.memory_space<vmem>>, vector<128x768xf32>
      tpu.vector_store %arg7[%swap3A, %swap3A_58], %dot_general3A_57 {strides = array<i32>} : memref<4736x768xf32, #tpu.memory_space<vmem>>, vector<128x768xf32>,
    }
    %while3A_26 = arith.constant 1 : i32
    scf.for %while3A_27 = %while3A_24 to %while3A_20 step %while3A_26  : i32 {
      %mul3A = arith.constant 128 : i32
      %mul3A_28 = arith.muli %while3A_27, %mul3A : i32
      %add3A = arith.addi %get3A_2, %mul3A_28 : i32
      %multiple_of3A = tpu.assume_multiple %add3A, 8 : i32
      %get3A_29 = arith.index_cast %multiple_of3A : i32 to index
      %get3A_30 = arith.constant 0 : index
      %get3A_31 = vector.load %arg3[%get3A_29, %get3A_30] : memref<4736x384xi32, #tpu.memory_space<vmem>>, vector<128x384xi32>
      %shift_left3A = arith.constant 16 : i32
      %shift_left3A_32 = vector.broadcast %shift_left3A : i32 to vector<128x384xi32>
      %shift_left3A_33 = arith.shli %get3A_31, %shift_left3A_32 : vector<128x384xi32>
      %bitcast_convert_type3A = tpu.bitcast %shift_left3A_33 : vector<128x384xi32> -> vector<128x384xf32>
      %and3A = arith.constant -65536 : i32
      %and3A_34 = vector.broadcast %and3A : i32 to vector<128x384xi32>
      %and3A_35 = arith.andi %get3A_31, %and3A_34 : vector<128x384xi32>
      %bitcast_convert_type3A_36 = tpu.bitcast %and3A_35 : vector<128x384xi32> -> vector<128x384xf32>
      %slice3A = vector.extract_strided_slice %get3A_7 {offsets = [0, 0], sizes = [1536, 384], strides = [1, 1]} : vector<1536x768xf32> to vector<1536x384xf32>
      %dot_general3A = arith.constant dense<0.000000e+00> : vector<128x1536xf32>
      %dot_general3A_37 = tpu.matmul %bitcast_convert_type3A, %slice3A, %dot_general3A {dimension_numbers = #tpu.dot_dimension_numbers<[1], [1], [0], [0], [0, 0, 1, 0], [], []>, transpose_lhs_hint = false} : vector<128x384xf32>, vector<1536x384xf32>, vector<128x1536xf32> -> vector<128x1536xf32>
      %slice3A_38 = vector.extract_strided_slice %get3A_7 {offsets = [0, 384], sizes = [1536, 384], strides = [1, 1]} : vector<1536x768xf32> to vector<1536x384xf32>
      %dot_general3A_39 = arith.constant dense<0.000000e+00> : vector<128x1536xf32>
      %dot_general3A_40 = tpu.matmul %bitcast_convert_type3A_36, %slice3A_38, %dot_general3A_39 {dimension_numbers = #tpu.dot_dimension_numbers<[1], [1], [0], [0], [0, 0, 1, 0], [], []>, transpose_lhs_hint = false} : vector<128x384xf32>, vector<1536x384xf32>, vector<128x1536xf32> -> vector<128x1536xf32>
      %add3A_41 = arith.addf %dot_general3A_37, %dot_general3A_40 : vector<128x1536xf32>
      %slice3A_42 = vector.extract_strided_slice %get3A_12 {offsets = [0, 0], sizes = [1536, 384], strides = [1, 1]} : vector<1536x768xf32> to vector<1536x384xf32>
      %dot_general3A_43 = arith.constant dense<0.000000e+00> : vector<128x1536xf32>
      %dot_general3A_44 = tpu.matmul %bitcast_convert_type3A, %slice3A_42, %dot_general3A_43 {dimension_numbers = #tpu.dot_dimension_numbers<[1], [1], [0], [0], [0, 0, 1, 0], [], []>, transpose_lhs_hint = false} : vector<128x384xf32>, vector<1536x384xf32>, vector<128x1536xf32> -> vector<128x1536xf32>
      %slice3A_45 = vector.extract_strided_slice %get3A_12 {offsets = [0, 384], sizes = [1536, 384], strides = [1, 1]} : vector<1536x768xf32> to vector<1536x384xf32>
      %dot_general3A_46 = arith.constant dense<0.000000e+00> : vector<128x1536xf32>
      %dot_general3A_47 = tpu.matmul %bitcast_convert_type3A_36, %slice3A_45, %dot_general3A_46 {dimension_numbers = #tpu.dot_dimension_numbers<[1], [1], [0], [0], [0, 0, 1, 0], [], []>, transpose_lhs_hint = false} : vector<128x384xf32>, vector<1536x384xf32>, vector<128x1536xf32> -> vector<128x1536xf32>
      %add3A_48 = arith.addf %dot_general3A_44, %dot_general3A_47 : vector<128x1536xf32>
      %logistic3A = arith.negf %add3A_41 : vector<128x1536xf32>
      %logistic3A_49 = math.exp %logistic3A : vector<128x1536xf32>
      %logistic3A_50 = arith.constant 1.000000e+00 : f32
      %logistic3A_51 = vector.broadcast %logistic3A_50 : f32 to vector<128x1536xf32>
      %logistic3A_52 = arith.addf %logistic3A_51, %logistic3A_49 : vector<128x1536xf32>
      %logistic3A_53 = arith.divf %logistic3A_51, %logistic3A_52 : vector<128x1536xf32>
      %mul3A_54 = arith.mulf %add3A_41, %logistic3A_53 : vector<128x1536xf32>
      %mul3A_55 = arith.mulf %mul3A_54, %add3A_48 : vector<128x1536xf32>
      %dot_general3A_56 = arith.constant dense<0.000000e+00> : vector<128x768xf32>
      %dot_general3A_57 = tpu.matmul %mul3A_55, %get3A_17, %dot_general3A_56 {dimension_numbers = #tpu.dot_dimension_numbers<[1], [1], [0], [0], [0, 0, 1, 0], [], []>, transpose_lhs_hint = false} : vector<128x1536xf32>, vector<768x1536xf32>, vector<128x768xf32> -> vector<128x768xf32>
      %swap3A = arith.index_cast %multiple_of3A : i32 to index
      %swap3A_58 = arith.constant 0 : index
      %swap3A_59 = vector.load %arg7[%swap3A, %swap3A_58] : memref<4736x768xf32, #tpu.memory_space<vmem>>, vector<128x768xf32>
      tpu.vector_store %arg7[%swap3A, %swap3A_58], %dot_general3A_57 {strides = array<i32>} : memref<4736x768xf32, #tpu.memory_space<vmem>>, vector<128x768xf32>,
    }
    return
  }
  func.func @transform_0(%arg0: i32, %arg1: memref<64xi32, #tpu.memory_space<smem>>, %arg2: memref<64xi32, #tpu.memory_space<smem>>) -> (i32, i32) {
    %c0_i32 = arith.constant 0 : i32
    %c0_i32_0 = arith.constant 0 : i32
    %c0_i32_1 = arith.constant 0 : i32
    return %c0_i32, %c0_i32_0 : i32, i32
  }
  func.func @transform_1(%arg0: i32, %arg1: memref<64xi32, #tpu.memory_space<smem>>, %arg2: memref<64xi32, #tpu.memory_space<smem>>) -> (i32, i32, i32) {
    %c0_i32 = arith.constant 0 : i32
    %c0_i32_0 = arith.constant 0 : i32
    %c0_i32_1 = arith.constant 0 : i32
    return %arg0, %c0_i32, %c0_i32_0 : i32, i32, i32
  }
  func.func @transform_2(%arg0: i32, %arg1: memref<64xi32, #tpu.memory_space<smem>>, %arg2: memref<64xi32, #tpu.memory_space<smem>>) -> (i32, i32, i32) {
    %c0_i32 = arith.constant 0 : i32
    %c0_i32_0 = arith.constant 0 : i32
    %c0_i32_1 = arith.constant 0 : i32
    return %arg0, %c0_i32, %c0_i32_0 : i32, i32, i32
  }
  func.func @transform_3(%arg0: i32, %arg1: memref<64xi32, #tpu.memory_space<smem>>, %arg2: memref<64xi32, #tpu.memory_space<smem>>) -> (i32, i32, i32) {
    %c0_i32 = arith.constant 0 : i32
    %c0_i32_0 = arith.constant 0 : i32
    %c0_i32_1 = arith.constant 0 : i32
    return %arg0, %c0_i32, %c0_i32_0 : i32, i32, i32
  }
  func.func @transform_4(%arg0: i32, %arg1: memref<64xi32, #tpu.memory_space<smem>>, %arg2: memref<64xi32, #tpu.memory_space<smem>>) -> (i32, i32) {
    %c0_i32 = arith.constant 0 : i32
    %c0_i32_0 = arith.constant 0 : i32
    %c0_i32_1 = arith.constant 0 : i32
    return %c0_i32, %c0_i32_0 : i32, i32
  }
}

module attributes {stable_mosaic.version = 14 : i64} {
  func.func @_router_body(%arg0: memref<2048x768xf32, #tpu.memory_space<vmem>>, %arg1: memref<64x768xf32, #tpu.memory_space<vmem>>, %arg2: memref<2048x1xi32, #tpu.memory_space<vmem>>, %arg3: memref<2048x1xi32, #tpu.memory_space<vmem>>, %arg4: memref<2048x1xf32, #tpu.memory_space<vmem>>, %arg5: memref<2048x1xf32, #tpu.memory_space<vmem>>, %arg6: memref<64xi32, #tpu.memory_space<vmem>>, %arg7: memref<64xi32, #tpu.memory_space<vmem>>, %arg8: memref<1x1xf32, #tpu.memory_space<vmem>>, %arg9: memref<2048x384xi32, #tpu.memory_space<vmem>>) attributes {dimension_semantics = [], scalar_prefetch = 0 : i64, scratch_operands = 0 : i64, tpu.core_type = #tpu.core_type<tc>} {
    %get3A = arith.constant 0 : index
    %get3A_0 = arith.constant 0 : index
    %get3A_1 = vector.load %arg0[%get3A, %get3A_0] : memref<2048x768xf32, #tpu.memory_space<vmem>>, vector<2048x768xf32>
    %get3A_2 = arith.constant 0 : index
    %get3A_3 = arith.constant 0 : index
    %get3A_4 = vector.load %arg1[%get3A_2, %get3A_3] : memref<64x768xf32, #tpu.memory_space<vmem>>, vector<64x768xf32>
    %slice3A = vector.extract_strided_slice %get3A_1 {offsets = [0, 0], sizes = [2048, 384], strides = [1, 1]} : vector<2048x768xf32> to vector<2048x384xf32>
    %convert_element_type3A = arith.truncf %slice3A : vector<2048x384xf32> to vector<2048x384xbf16>
    %convert_element_type3A_5 = arith.extf %convert_element_type3A : vector<2048x384xbf16> to vector<2048x384xf32>
    %bitcast_convert_type3A = tpu.bitcast %convert_element_type3A_5 : vector<2048x384xf32> -> vector<2048x384xi32>
    %slice3A_6 = vector.extract_strided_slice %get3A_1 {offsets = [0, 384], sizes = [2048, 384], strides = [1, 1]} : vector<2048x768xf32> to vector<2048x384xf32>
    %convert_element_type3A_7 = arith.truncf %slice3A_6 : vector<2048x384xf32> to vector<2048x384xbf16>
    %convert_element_type3A_8 = arith.extf %convert_element_type3A_7 : vector<2048x384xbf16> to vector<2048x384xf32>
    %bitcast_convert_type3A_9 = tpu.bitcast %convert_element_type3A_8 : vector<2048x384xf32> -> vector<2048x384xi32>
    %shift_right_logical3A = arith.constant 16 : i32
    %shift_right_logical3A_10 = vector.broadcast %shift_right_logical3A : i32 to vector<2048x384xi32>
    %shift_right_logical3A_11 = arith.shrui %bitcast_convert_type3A, %shift_right_logical3A_10 : vector<2048x384xi32>
    %and3A = arith.constant -65536 : i32
    %and3A_12 = vector.broadcast %and3A : i32 to vector<2048x384xi32>
    %and3A_13 = arith.andi %bitcast_convert_type3A_9, %and3A_12 : vector<2048x384xi32>
    %or3A = arith.ori %shift_right_logical3A_11, %and3A_13 : vector<2048x384xi32>
    %swap3A = arith.constant 0 : index
    %swap3A_14 = arith.constant 0 : index
    %swap3A_15 = vector.load %arg9[%swap3A, %swap3A_14] : memref<2048x384xi32, #tpu.memory_space<vmem>>, vector<2048x384xi32>
    tpu.vector_store %arg9[%swap3A, %swap3A_14], %or3A {strides = array<i32>} : memref<2048x384xi32, #tpu.memory_space<vmem>>, vector<2048x384xi32>,
    %dot_general3A = arith.constant dense<0.000000e+00> : vector<2048x64xf32>
    %dot_general3A_16 = tpu.matmul %get3A_1, %get3A_4, %dot_general3A {dimension_numbers = #tpu.dot_dimension_numbers<[1], [1], [0], [0], [0, 0, 1, 0], [], []>, transpose_lhs_hint = false} : vector<2048x768xf32>, vector<64x768xf32>, vector<2048x64xf32> -> vector<2048x64xf32>
    %reduce_max3A = arith.constant dense<0xFF800000> : vector<2048xf32>
    %reduce_max3A_17 = vector.multi_reduction <maximumf>, %dot_general3A_16, %reduce_max3A [1] : vector<2048x64xf32> to vector<2048xf32>
    %broadcast_in_dim3A = vector.shape_cast %reduce_max3A_17 : vector<2048xf32> to vector<2048x1xf32>
    %sub3A = vector.broadcast %broadcast_in_dim3A : vector<2048x1xf32> to vector<2048x64xf32>
    %sub3A_18 = arith.subf %dot_general3A_16, %sub3A : vector<2048x64xf32>
    %exp3A = math.exp %sub3A_18 : vector<2048x64xf32>
    %reduce_sum3A = arith.constant dense<0.000000e+00> : vector<2048xf32>
    %reduce_sum3A_19 = vector.multi_reduction <add>, %exp3A, %reduce_sum3A [1] : vector<2048x64xf32> to vector<2048xf32>
    %broadcast_in_dim3A_20 = vector.shape_cast %reduce_sum3A_19 : vector<2048xf32> to vector<2048x1xf32>
    %div3A = vector.broadcast %broadcast_in_dim3A_20 : vector<2048x1xf32> to vector<2048x64xf32>
    %div3A_21 = arith.divf %exp3A, %div3A : vector<2048x64xf32>
    %iota3A = tpu.iota {dimensions = array<i32: 1>} : vector<2048x64xi32>
    %reduce_max3A_22 = arith.constant dense<0xFF800000> : vector<2048xf32>
    %reduce_max3A_23 = vector.multi_reduction <maximumf>, %div3A_21, %reduce_max3A_22 [1] : vector<2048x64xf32> to vector<2048xf32>
    %broadcast_in_dim3A_24 = vector.shape_cast %reduce_max3A_23 : vector<2048xf32> to vector<2048x1xf32>
    %eq3A = vector.broadcast %broadcast_in_dim3A_24 : vector<2048x1xf32> to vector<2048x64xf32>
    %eq3A_25 = arith.cmpf oeq, %div3A_21, %eq3A : vector<2048x64xf32>
    %jit3A = arith.constant 64 : i32
    %broadcast_in_dim3A_26 = vector.broadcast %jit3A : i32 to vector<2048x64xi32>
    %select_n3A = arith.select %eq3A_25, %iota3A, %broadcast_in_dim3A_26 : vector<2048x64xi1>, vector<2048x64xi32>
    %reduce_min3A = arith.constant dense<2147483647> : vector<2048xi32>
    %reduce_min3A_27 = vector.multi_reduction <minsi>, %select_n3A, %reduce_min3A [1] : vector<2048x64xi32> to vector<2048xi32>
    %broadcast_in_dim3A_28 = vector.shape_cast %reduce_min3A_27 : vector<2048xi32> to vector<2048x1xi32>
    %eq3A_29 = vector.broadcast %broadcast_in_dim3A_28 : vector<2048x1xi32> to vector<2048x64xi32>
    %eq3A_30 = arith.cmpi eq, %iota3A, %eq3A_29 : vector<2048x64xi32>
    %convert_element_type3A_31 = arith.extui %eq3A_30 : vector<2048x64xi1> to vector<2048x64xi32>
    %convert_element_type3A_32 = arith.sitofp %convert_element_type3A_31 : vector<2048x64xi32> to vector<2048x64xf32>
    %eq3A_33 = vector.broadcast %broadcast_in_dim3A_28 : vector<2048x1xi32> to vector<2048x64xi32>
    %eq3A_34 = arith.cmpi eq, %iota3A, %eq3A_33 : vector<2048x64xi32>
    %jit3A_35 = arith.constant -1.000000e+00 : f32
    %broadcast_in_dim3A_36 = vector.broadcast %jit3A_35 : f32 to vector<2048x64xf32>
    %select_n3A_37 = arith.select %eq3A_34, %broadcast_in_dim3A_36, %div3A_21 : vector<2048x64xi1>, vector<2048x64xf32>
    %reduce_max3A_38 = arith.constant dense<0xFF800000> : vector<2048xf32>
    %reduce_max3A_39 = vector.multi_reduction <maximumf>, %select_n3A_37, %reduce_max3A_38 [1] : vector<2048x64xf32> to vector<2048xf32>
    %broadcast_in_dim3A_40 = vector.shape_cast %reduce_max3A_39 : vector<2048xf32> to vector<2048x1xf32>
    %eq3A_41 = vector.broadcast %broadcast_in_dim3A_40 : vector<2048x1xf32> to vector<2048x64xf32>
    %eq3A_42 = arith.cmpf oeq, %select_n3A_37, %eq3A_41 : vector<2048x64xf32>
    %jit3A_43 = arith.constant 64 : i32
    %broadcast_in_dim3A_44 = vector.broadcast %jit3A_43 : i32 to vector<2048x64xi32>
    %select_n3A_45 = arith.select %eq3A_42, %iota3A, %broadcast_in_dim3A_44 : vector<2048x64xi1>, vector<2048x64xi32>
    %reduce_min3A_46 = arith.constant dense<2147483647> : vector<2048xi32>
    %reduce_min3A_47 = vector.multi_reduction <minsi>, %select_n3A_45, %reduce_min3A_46 [1] : vector<2048x64xi32> to vector<2048xi32>
    %broadcast_in_dim3A_48 = vector.shape_cast %reduce_min3A_47 : vector<2048xi32> to vector<2048x1xi32>
    %eq3A_49 = vector.broadcast %broadcast_in_dim3A_48 : vector<2048x1xi32> to vector<2048x64xi32>
    %eq3A_50 = arith.cmpi eq, %iota3A, %eq3A_49 : vector<2048x64xi32>
    %convert_element_type3A_51 = arith.extui %eq3A_50 : vector<2048x64xi1> to vector<2048x64xi32>
    %convert_element_type3A_52 = arith.sitofp %convert_element_type3A_51 : vector<2048x64xi32> to vector<2048x64xf32>
    %sub3A_53 = arith.subf %broadcast_in_dim3A_40, %broadcast_in_dim3A_24 : vector<2048x1xf32>
    %exp3A_54 = math.exp %sub3A_53 : vector<2048x1xf32>
    %add3A = arith.constant 1.000000e+00 : f32
    %add3A_55 = vector.broadcast %add3A : f32 to vector<2048x1xf32>
    %add3A_56 = arith.addf %add3A_55, %exp3A_54 : vector<2048x1xf32>
    %div3A_57 = arith.constant 1.000000e+00 : f32
    %div3A_58 = vector.broadcast %div3A_57 : f32 to vector<2048x1xf32>
    %div3A_59 = arith.divf %div3A_58, %add3A_56 : vector<2048x1xf32>
    %swap3A_60 = arith.constant 0 : index
    %swap3A_61 = arith.constant 0 : index
    %swap3A_62 = vector.load %arg4[%swap3A_60, %swap3A_61] : memref<2048x1xf32, #tpu.memory_space<vmem>>, vector<2048x1xf32>
    tpu.vector_store %arg4[%swap3A_60, %swap3A_61], %div3A_59 {strides = array<i32>} : memref<2048x1xf32, #tpu.memory_space<vmem>>, vector<2048x1xf32>,
    %add3A_63 = arith.constant 1.000000e+00 : f32
    %add3A_64 = vector.broadcast %add3A_63 : f32 to vector<2048x1xf32>
    %add3A_65 = arith.addf %add3A_64, %exp3A_54 : vector<2048x1xf32>
    %div3A_66 = arith.divf %exp3A_54, %add3A_65 : vector<2048x1xf32>
    %swap3A_67 = arith.constant 0 : index
    %swap3A_68 = arith.constant 0 : index
    %swap3A_69 = vector.load %arg5[%swap3A_67, %swap3A_68] : memref<2048x1xf32, #tpu.memory_space<vmem>>, vector<2048x1xf32>
    tpu.vector_store %arg5[%swap3A_67, %swap3A_68], %div3A_66 {strides = array<i32>} : memref<2048x1xf32, #tpu.memory_space<vmem>>, vector<2048x1xf32>,
    %reduce_sum3A_70 = arith.constant dense<0.000000e+00> : vector<64xf32>
    %reduce_sum3A_71 = vector.multi_reduction <add>, %convert_element_type3A_32, %reduce_sum3A_70 [0] : vector<2048x64xf32> to vector<64xf32>
    %reduce_sum3A_72 = arith.constant dense<0.000000e+00> : vector<64xf32>
    %reduce_sum3A_73 = vector.multi_reduction <add>, %convert_element_type3A_52, %reduce_sum3A_72 [0] : vector<2048x64xf32> to vector<64xf32>
    %add3A_74 = arith.addf %reduce_sum3A_71, %reduce_sum3A_73 : vector<64xf32>
    %reduce_sum3A_75 = arith.constant dense<0.000000e+00> : vector<64xf32>
    %reduce_sum3A_76 = vector.multi_reduction <add>, %div3A_21, %reduce_sum3A_75 [0] : vector<2048x64xf32> to vector<64xf32>
    %div3A_77 = arith.constant 2.048000e+03 : f32
    %div3A_78 = vector.broadcast %div3A_77 : f32 to vector<64xf32>
    %div3A_79 = arith.divf %reduce_sum3A_76, %div3A_78 : vector<64xf32>
    %div3A_80 = arith.constant 2.048000e+03 : f32
    %div3A_81 = vector.broadcast %div3A_80 : f32 to vector<64xf32>
    %div3A_82 = arith.divf %add3A_74, %div3A_81 : vector<64xf32>
    %mul3A = arith.mulf %div3A_82, %div3A_79 : vector<64xf32>
    %reduce_sum3A_83 = vector.shape_cast %mul3A : vector<64xf32> to vector<1x64xf32>
    %reduce_sum3A_84 = arith.constant dense<0.000000e+00> : vector<1xf32>
    %reduce_sum3A_85 = vector.multi_reduction <add>, %reduce_sum3A_83, %reduce_sum3A_84 [1] : vector<1x64xf32> to vector<1xf32>
    %reduce_sum3A_86 = vector.shape_cast %reduce_sum3A_85 : vector<1xf32> to vector<1x1xf32>
    %reduce_sum3A_87 = vector.extract %reduce_sum3A_86[0, 0] : f32 from vector<1x1xf32>
    %reshape3A = vector.broadcast %reduce_sum3A_87 : f32 to vector<1x1xf32>
    %mul3A_88 = arith.constant 6.400000e+01 : f32
    %mul3A_89 = vector.broadcast %mul3A_88 : f32 to vector<1x1xf32>
    %mul3A_90 = arith.mulf %reshape3A, %mul3A_89 : vector<1x1xf32>
    %swap3A_91 = arith.constant 0 : index
    %swap3A_92 = arith.constant 0 : index
    %swap3A_93 = vector.load %arg8[%swap3A_91, %swap3A_92] : memref<1x1xf32, #tpu.memory_space<vmem>>, vector<1x1xf32>
    tpu.vector_store %arg8[%swap3A_91, %swap3A_92], %mul3A_90 {strides = array<i32>} : memref<1x1xf32, #tpu.memory_space<vmem>>, vector<1x1xf32>,
    %convert_element_type3A_94 = arith.fptosi %add3A_74 : vector<64xf32> to vector<64xi32>
    %add3A_95 = arith.constant 7 : i32
    %add3A_96 = vector.broadcast %add3A_95 : i32 to vector<64xi32>
    %add3A_97 = arith.addi %convert_element_type3A_94, %add3A_96 : vector<64xi32>
    %jit3A_98 = arith.constant 8 : i32
    %div3A_99 = vector.broadcast %jit3A_98 : i32 to vector<64xi32>
    %div3A_100 = arith.divsi %add3A_97, %div3A_99 : vector<64xi32>
    %sign3A = arith.constant 0 : i32
    %sign3A_101 = vector.broadcast %sign3A : i32 to vector<64xi32>
    %sign3A_102 = arith.cmpi sgt, %add3A_97, %sign3A_101 : vector<64xi32>
    %sign3A_103 = arith.extui %sign3A_102 : vector<64xi1> to vector<64xi32>
    %sign3A_104 = arith.constant 0 : i32
    %sign3A_105 = vector.broadcast %sign3A_104 : i32 to vector<64xi32>
    %sign3A_106 = arith.cmpi slt, %add3A_97, %sign3A_105 : vector<64xi32>
    %sign3A_107 = arith.extui %sign3A_106 : vector<64xi1> to vector<64xi32>
    %sign3A_108 = arith.subi %sign3A_103, %sign3A_107 : vector<64xi32>
    %sign3A_109 = arith.constant 0 : i32
    %sign3A_110 = arith.cmpi sgt, %jit3A_98, %sign3A_109 : i32
    %sign3A_111 = arith.extui %sign3A_110 : i1 to i32
    %sign3A_112 = arith.constant 0 : i32
    %sign3A_113 = arith.cmpi slt, %jit3A_98, %sign3A_112 : i32
    %sign3A_114 = arith.extui %sign3A_113 : i1 to i32
    %sign3A_115 = arith.subi %sign3A_111, %sign3A_114 : i32
    %ne3A = vector.broadcast %sign3A_115 : i32 to vector<64xi32>
    %ne3A_116 = arith.cmpi ne, %sign3A_108, %ne3A : vector<64xi32>
    %rem3A = vector.broadcast %jit3A_98 : i32 to vector<64xi32>
    %rem3A_117 = arith.remsi %add3A_97, %rem3A : vector<64xi32>
    %ne3A_118 = arith.constant 0 : i32
    %ne3A_119 = vector.broadcast %ne3A_118 : i32 to vector<64xi32>
    %ne3A_120 = arith.cmpi ne, %rem3A_117, %ne3A_119 : vector<64xi32>
    %and3A_121 = arith.andi %ne3A_116, %ne3A_120 : vector<64xi1>
    %sub3A_122 = arith.constant 1 : i32
    %sub3A_123 = vector.broadcast %sub3A_122 : i32 to vector<64xi32>
    %sub3A_124 = arith.subi %div3A_100, %sub3A_123 : vector<64xi32>
    %select_n3A_125 = arith.select %and3A_121, %sub3A_124, %div3A_100 : vector<64xi1>, vector<64xi32>
    %mul3A_126 = arith.constant 8 : i32
    %mul3A_127 = vector.broadcast %mul3A_126 : i32 to vector<64xi32>
    %mul3A_128 = arith.muli %select_n3A_125, %mul3A_127 : vector<64xi32>
    %add3A_129 = arith.constant 128 : i32
    %add3A_130 = vector.broadcast %add3A_129 : i32 to vector<64xi32>
    %add3A_131 = arith.addi %convert_element_type3A_94, %add3A_130 : vector<64xi32>
    %sub3A_132 = arith.constant 1 : i32
    %sub3A_133 = vector.broadcast %sub3A_132 : i32 to vector<64xi32>
    %sub3A_134 = arith.subi %add3A_131, %sub3A_133 : vector<64xi32>
    %jit3A_135 = arith.constant 128 : i32
    %div3A_136 = vector.broadcast %jit3A_135 : i32 to vector<64xi32>
    %div3A_137 = arith.divsi %sub3A_134, %div3A_136 : vector<64xi32>
    %sign3A_138 = arith.constant 0 : i32
    %sign3A_139 = vector.broadcast %sign3A_138 : i32 to vector<64xi32>
    %sign3A_140 = arith.cmpi sgt, %sub3A_134, %sign3A_139 : vector<64xi32>
    %sign3A_141 = arith.extui %sign3A_140 : vector<64xi1> to vector<64xi32>
    %sign3A_142 = arith.constant 0 : i32
    %sign3A_143 = vector.broadcast %sign3A_142 : i32 to vector<64xi32>
    %sign3A_144 = arith.cmpi slt, %sub3A_134, %sign3A_143 : vector<64xi32>
    %sign3A_145 = arith.extui %sign3A_144 : vector<64xi1> to vector<64xi32>
    %sign3A_146 = arith.subi %sign3A_141, %sign3A_145 : vector<64xi32>
    %sign3A_147 = arith.constant 0 : i32
    %sign3A_148 = arith.cmpi sgt, %jit3A_135, %sign3A_147 : i32
    %sign3A_149 = arith.extui %sign3A_148 : i1 to i32
    %sign3A_150 = arith.constant 0 : i32
    %sign3A_151 = arith.cmpi slt, %jit3A_135, %sign3A_150 : i32
    %sign3A_152 = arith.extui %sign3A_151 : i1 to i32
    %sign3A_153 = arith.subi %sign3A_149, %sign3A_152 : i32
    %ne3A_154 = vector.broadcast %sign3A_153 : i32 to vector<64xi32>
    %ne3A_155 = arith.cmpi ne, %sign3A_146, %ne3A_154 : vector<64xi32>
    %rem3A_156 = vector.broadcast %jit3A_135 : i32 to vector<64xi32>
    %rem3A_157 = arith.remsi %sub3A_134, %rem3A_156 : vector<64xi32>
    %ne3A_158 = arith.constant 0 : i32
    %ne3A_159 = vector.broadcast %ne3A_158 : i32 to vector<64xi32>
    %ne3A_160 = arith.cmpi ne, %rem3A_157, %ne3A_159 : vector<64xi32>
    %and3A_161 = arith.andi %ne3A_155, %ne3A_160 : vector<64xi1>
    %sub3A_162 = arith.constant 1 : i32
    %sub3A_163 = vector.broadcast %sub3A_162 : i32 to vector<64xi32>
    %sub3A_164 = arith.subi %div3A_137, %sub3A_163 : vector<64xi32>
    %select_n3A_165 = arith.select %and3A_161, %sub3A_164, %div3A_137 : vector<64xi1>, vector<64xi32>
    %swap3A_166 = arith.constant 0 : index
    %swap3A_167 = vector.load %arg6[%swap3A_166] : memref<64xi32, #tpu.memory_space<vmem>>, vector<64xi32>
    tpu.vector_store %arg6[%swap3A_166], %select_n3A_165 {strides = array<i32>} : memref<64xi32, #tpu.memory_space<vmem>>, vector<64xi32>,
    %iota3A_168 = tpu.iota {dimensions = array<i32: 0>} : vector<64x64xi32>
    %iota3A_169 = tpu.iota {dimensions = array<i32: 1>} : vector<64x64xi32>
    %lt3A = arith.cmpi slt, %iota3A_168, %iota3A_169 : vector<64x64xi32>
    %convert_element_type3A_170 = arith.extui %lt3A : vector<64x64xi1> to vector<64x64xi32>
    %convert_element_type3A_171 = arith.sitofp %convert_element_type3A_170 : vector<64x64xi32> to vector<64x64xf32>
    %convert_element_type3A_172 = arith.sitofp %mul3A_128 : vector<64xi32> to vector<64xf32>
    %reshape3A_173 = vector.shape_cast %convert_element_type3A_172 : vector<64xf32> to vector<1x64xf32>
    %dot_general3A_174 = arith.constant dense<0.000000e+00> : vector<1x64xf32>
    %dot_general3A_175 = tpu.matmul %reshape3A_173, %convert_element_type3A_171, %dot_general3A_174 {dimension_numbers = #tpu.dot_dimension_numbers<[1], [0], [0], [1], [0, 0, 1, 1], [], []>, transpose_lhs_hint = false} : vector<1x64xf32>, vector<64x64xf32>, vector<1x64xf32> -> vector<1x64xf32>
    %reshape3A_176 = vector.shape_cast %dot_general3A_175 : vector<1x64xf32> to vector<64xf32>
    %convert_element_type3A_177 = arith.fptosi %reshape3A_176 : vector<64xf32> to vector<64xi32>
    %swap3A_178 = arith.constant 0 : index
    %swap3A_179 = vector.load %arg7[%swap3A_178] : memref<64xi32, #tpu.memory_space<vmem>>, vector<64xi32>
    tpu.vector_store %arg7[%swap3A_178], %convert_element_type3A_177 {strides = array<i32>} : memref<64xi32, #tpu.memory_space<vmem>>, vector<64xi32>,
    %iota3A_180 = tpu.iota {dimensions = array<i32: 0>} : vector<256x256xi32>
    %iota3A_181 = tpu.iota {dimensions = array<i32: 1>} : vector<256x256xi32>
    %gt3A = arith.cmpi sgt, %iota3A_180, %iota3A_181 : vector<256x256xi32>
    %convert_element_type3A_182 = arith.extui %gt3A : vector<256x256xi1> to vector<256x256xi32>
    %convert_element_type3A_183 = arith.sitofp %convert_element_type3A_182 : vector<256x256xi32> to vector<256x256xf32>
    %broadcast_in_dim3A_184 = arith.constant 0.000000e+00 : f32
    %broadcast_in_dim3A_185 = vector.broadcast %broadcast_in_dim3A_184 : f32 to vector<1x64xf32>
    %slice3A_186 = vector.extract_strided_slice %convert_element_type3A_32 {offsets = [0, 0], sizes = [256, 64], strides = [1, 1]} : vector<2048x64xf32> to vector<256x64xf32>
    %dot_general3A_187 = arith.constant dense<0.000000e+00> : vector<256x64xf32>
    %dot_general3A_188 = tpu.matmul %convert_element_type3A_183, %slice3A_186, %dot_general3A_187 {dimension_numbers = #tpu.dot_dimension_numbers<[1], [0], [0], [1], [0, 0, 1, 1], [], []>, transpose_lhs_hint = false} : vector<256x256xf32>, vector<256x64xf32>, vector<256x64xf32> -> vector<256x64xf32>
    %add3A_189 = vector.broadcast %broadcast_in_dim3A_185 : vector<1x64xf32> to vector<256x64xf32>
    %add3A_190 = arith.addf %dot_general3A_188, %add3A_189 : vector<256x64xf32>
    %reduce_sum3A_191 = arith.constant dense<0.000000e+00> : vector<64xf32>
    %reduce_sum3A_192 = vector.multi_reduction <add>, %slice3A_186, %reduce_sum3A_191 [0] : vector<256x64xf32> to vector<64xf32>
    %broadcast_in_dim3A_193 = vector.shape_cast %reduce_sum3A_192 : vector<64xf32> to vector<1x64xf32>
    %add3A_194 = arith.addf %broadcast_in_dim3A_185, %broadcast_in_dim3A_193 : vector<1x64xf32>
    %slice3A_195 = vector.extract_strided_slice %convert_element_type3A_32 {offsets = [256, 0], sizes = [256, 64], strides = [1, 1]} : vector<2048x64xf32> to vector<256x64xf32>
    %dot_general3A_196 = arith.constant dense<0.000000e+00> : vector<256x64xf32>
    %dot_general3A_197 = tpu.matmul %convert_element_type3A_183, %slice3A_195, %dot_general3A_196 {dimension_numbers = #tpu.dot_dimension_numbers<[1], [0], [0], [1], [0, 0, 1, 1], [], []>, transpose_lhs_hint = false} : vector<256x256xf32>, vector<256x64xf32>, vector<256x64xf32> -> vector<256x64xf32>
    %add3A_198 = vector.broadcast %add3A_194 : vector<1x64xf32> to vector<256x64xf32>
    %add3A_199 = arith.addf %dot_general3A_197, %add3A_198 : vector<256x64xf32>
    %reduce_sum3A_200 = arith.constant dense<0.000000e+00> : vector<64xf32>
    %reduce_sum3A_201 = vector.multi_reduction <add>, %slice3A_195, %reduce_sum3A_200 [0] : vector<256x64xf32> to vector<64xf32>
    %broadcast_in_dim3A_202 = vector.shape_cast %reduce_sum3A_201 : vector<64xf32> to vector<1x64xf32>
    %add3A_203 = arith.addf %add3A_194, %broadcast_in_dim3A_202 : vector<1x64xf32>
    %slice3A_204 = vector.extract_strided_slice %convert_element_type3A_32 {offsets = [512, 0], sizes = [256, 64], strides = [1, 1]} : vector<2048x64xf32> to vector<256x64xf32>
    %dot_general3A_205 = arith.constant dense<0.000000e+00> : vector<256x64xf32>
    %dot_general3A_206 = tpu.matmul %convert_element_type3A_183, %slice3A_204, %dot_general3A_205 {dimension_numbers = #tpu.dot_dimension_numbers<[1], [0], [0], [1], [0, 0, 1, 1], [], []>, transpose_lhs_hint = false} : vector<256x256xf32>, vector<256x64xf32>, vector<256x64xf32> -> vector<256x64xf32>
    %add3A_207 = vector.broadcast %add3A_203 : vector<1x64xf32> to vector<256x64xf32>
    %add3A_208 = arith.addf %dot_general3A_206, %add3A_207 : vector<256x64xf32>
    %reduce_sum3A_209 = arith.constant dense<0.000000e+00> : vector<64xf32>
    %reduce_sum3A_210 = vector.multi_reduction <add>, %slice3A_204, %reduce_sum3A_209 [0] : vector<256x64xf32> to vector<64xf32>
    %broadcast_in_dim3A_211 = vector.shape_cast %reduce_sum3A_210 : vector<64xf32> to vector<1x64xf32>
    %add3A_212 = arith.addf %add3A_203, %broadcast_in_dim3A_211 : vector<1x64xf32>
    %slice3A_213 = vector.extract_strided_slice %convert_element_type3A_32 {offsets = [768, 0], sizes = [256, 64], strides = [1, 1]} : vector<2048x64xf32> to vector<256x64xf32>
    %dot_general3A_214 = arith.constant dense<0.000000e+00> : vector<256x64xf32>
    %dot_general3A_215 = tpu.matmul %convert_element_type3A_183, %slice3A_213, %dot_general3A_214 {dimension_numbers = #tpu.dot_dimension_numbers<[1], [0], [0], [1], [0, 0, 1, 1], [], []>, transpose_lhs_hint = false} : vector<256x256xf32>, vector<256x64xf32>, vector<256x64xf32> -> vector<256x64xf32>
    %add3A_216 = vector.broadcast %add3A_212 : vector<1x64xf32> to vector<256x64xf32>
    %add3A_217 = arith.addf %dot_general3A_215, %add3A_216 : vector<256x64xf32>
    %reduce_sum3A_218 = arith.constant dense<0.000000e+00> : vector<64xf32>
    %reduce_sum3A_219 = vector.multi_reduction <add>, %slice3A_213, %reduce_sum3A_218 [0] : vector<256x64xf32> to vector<64xf32>
    %broadcast_in_dim3A_220 = vector.shape_cast %reduce_sum3A_219 : vector<64xf32> to vector<1x64xf32>
    %add3A_221 = arith.addf %add3A_212, %broadcast_in_dim3A_220 : vector<1x64xf32>
    %slice3A_222 = vector.extract_strided_slice %convert_element_type3A_32 {offsets = [1024, 0], sizes = [256, 64], strides = [1, 1]} : vector<2048x64xf32> to vector<256x64xf32>
    %dot_general3A_223 = arith.constant dense<0.000000e+00> : vector<256x64xf32>
    %dot_general3A_224 = tpu.matmul %convert_element_type3A_183, %slice3A_222, %dot_general3A_223 {dimension_numbers = #tpu.dot_dimension_numbers<[1], [0], [0], [1], [0, 0, 1, 1], [], []>, transpose_lhs_hint = false} : vector<256x256xf32>, vector<256x64xf32>, vector<256x64xf32> -> vector<256x64xf32>
    %add3A_225 = vector.broadcast %add3A_221 : vector<1x64xf32> to vector<256x64xf32>
    %add3A_226 = arith.addf %dot_general3A_224, %add3A_225 : vector<256x64xf32>
    %reduce_sum3A_227 = arith.constant dense<0.000000e+00> : vector<64xf32>
    %reduce_sum3A_228 = vector.multi_reduction <add>, %slice3A_222, %reduce_sum3A_227 [0] : vector<256x64xf32> to vector<64xf32>
    %broadcast_in_dim3A_229 = vector.shape_cast %reduce_sum3A_228 : vector<64xf32> to vector<1x64xf32>
    %add3A_230 = arith.addf %add3A_221, %broadcast_in_dim3A_229 : vector<1x64xf32>
    %slice3A_231 = vector.extract_strided_slice %convert_element_type3A_32 {offsets = [1280, 0], sizes = [256, 64], strides = [1, 1]} : vector<2048x64xf32> to vector<256x64xf32>
    %dot_general3A_232 = arith.constant dense<0.000000e+00> : vector<256x64xf32>
    %dot_general3A_233 = tpu.matmul %convert_element_type3A_183, %slice3A_231, %dot_general3A_232 {dimension_numbers = #tpu.dot_dimension_numbers<[1], [0], [0], [1], [0, 0, 1, 1], [], []>, transpose_lhs_hint = false} : vector<256x256xf32>, vector<256x64xf32>, vector<256x64xf32> -> vector<256x64xf32>
    %add3A_234 = vector.broadcast %add3A_230 : vector<1x64xf32> to vector<256x64xf32>
    %add3A_235 = arith.addf %dot_general3A_233, %add3A_234 : vector<256x64xf32>
    %reduce_sum3A_236 = arith.constant dense<0.000000e+00> : vector<64xf32>
    %reduce_sum3A_237 = vector.multi_reduction <add>, %slice3A_231, %reduce_sum3A_236 [0] : vector<256x64xf32> to vector<64xf32>
    %broadcast_in_dim3A_238 = vector.shape_cast %reduce_sum3A_237 : vector<64xf32> to vector<1x64xf32>
    %add3A_239 = arith.addf %add3A_230, %broadcast_in_dim3A_238 : vector<1x64xf32>
    %slice3A_240 = vector.extract_strided_slice %convert_element_type3A_32 {offsets = [1536, 0], sizes = [256, 64], strides = [1, 1]} : vector<2048x64xf32> to vector<256x64xf32>
    %dot_general3A_241 = arith.constant dense<0.000000e+00> : vector<256x64xf32>
    %dot_general3A_242 = tpu.matmul %convert_element_type3A_183, %slice3A_240, %dot_general3A_241 {dimension_numbers = #tpu.dot_dimension_numbers<[1], [0], [0], [1], [0, 0, 1, 1], [], []>, transpose_lhs_hint = false} : vector<256x256xf32>, vector<256x64xf32>, vector<256x64xf32> -> vector<256x64xf32>
    %add3A_243 = vector.broadcast %add3A_239 : vector<1x64xf32> to vector<256x64xf32>
    %add3A_244 = arith.addf %dot_general3A_242, %add3A_243 : vector<256x64xf32>
    %reduce_sum3A_245 = arith.constant dense<0.000000e+00> : vector<64xf32>
    %reduce_sum3A_246 = vector.multi_reduction <add>, %slice3A_240, %reduce_sum3A_245 [0] : vector<256x64xf32> to vector<64xf32>
    %broadcast_in_dim3A_247 = vector.shape_cast %reduce_sum3A_246 : vector<64xf32> to vector<1x64xf32>
    %add3A_248 = arith.addf %add3A_239, %broadcast_in_dim3A_247 : vector<1x64xf32>
    %slice3A_249 = vector.extract_strided_slice %convert_element_type3A_32 {offsets = [1792, 0], sizes = [256, 64], strides = [1, 1]} : vector<2048x64xf32> to vector<256x64xf32>
    %dot_general3A_250 = arith.constant dense<0.000000e+00> : vector<256x64xf32>
    %dot_general3A_251 = tpu.matmul %convert_element_type3A_183, %slice3A_249, %dot_general3A_250 {dimension_numbers = #tpu.dot_dimension_numbers<[1], [0], [0], [1], [0, 0, 1, 1], [], []>, transpose_lhs_hint = false} : vector<256x256xf32>, vector<256x64xf32>, vector<256x64xf32> -> vector<256x64xf32>
    %add3A_252 = vector.broadcast %add3A_248 : vector<1x64xf32> to vector<256x64xf32>
    %add3A_253 = arith.addf %dot_general3A_251, %add3A_252 : vector<256x64xf32>
    %concatenate3A = tpu.concatenate %add3A_190, %add3A_199, %add3A_208, %add3A_217, %add3A_226, %add3A_235, %add3A_244, %add3A_253 in 0 : vector<256x64xf32>, vector<256x64xf32>, vector<256x64xf32>, vector<256x64xf32>, vector<256x64xf32>, vector<256x64xf32>, vector<256x64xf32>, vector<256x64xf32> -> vector<2048x64xf32>
    %mul3A_254 = arith.mulf %concatenate3A, %convert_element_type3A_32 : vector<2048x64xf32>
    %reduce_sum3A_255 = arith.constant dense<0.000000e+00> : vector<2048xf32>
    %reduce_sum3A_256 = vector.multi_reduction <add>, %mul3A_254, %reduce_sum3A_255 [1] : vector<2048x64xf32> to vector<2048xf32>
    %broadcast_in_dim3A_257 = vector.shape_cast %reduce_sum3A_256 : vector<2048xf32> to vector<2048x1xf32>
    %broadcast_in_dim3A_258 = arith.constant 0.000000e+00 : f32
    %broadcast_in_dim3A_259 = vector.broadcast %broadcast_in_dim3A_258 : f32 to vector<1x64xf32>
    %slice3A_260 = vector.extract_strided_slice %convert_element_type3A_52 {offsets = [0, 0], sizes = [256, 64], strides = [1, 1]} : vector<2048x64xf32> to vector<256x64xf32>
    %dot_general3A_261 = arith.constant dense<0.000000e+00> : vector<256x64xf32>
    %dot_general3A_262 = tpu.matmul %convert_element_type3A_183, %slice3A_260, %dot_general3A_261 {dimension_numbers = #tpu.dot_dimension_numbers<[1], [0], [0], [1], [0, 0, 1, 1], [], []>, transpose_lhs_hint = false} : vector<256x256xf32>, vector<256x64xf32>, vector<256x64xf32> -> vector<256x64xf32>
    %add3A_263 = vector.broadcast %broadcast_in_dim3A_259 : vector<1x64xf32> to vector<256x64xf32>
    %add3A_264 = arith.addf %dot_general3A_262, %add3A_263 : vector<256x64xf32>
    %reduce_sum3A_265 = arith.constant dense<0.000000e+00> : vector<64xf32>
    %reduce_sum3A_266 = vector.multi_reduction <add>, %slice3A_260, %reduce_sum3A_265 [0] : vector<256x64xf32> to vector<64xf32>
    %broadcast_in_dim3A_267 = vector.shape_cast %reduce_sum3A_266 : vector<64xf32> to vector<1x64xf32>
    %add3A_268 = arith.addf %broadcast_in_dim3A_259, %broadcast_in_dim3A_267 : vector<1x64xf32>
    %slice3A_269 = vector.extract_strided_slice %convert_element_type3A_52 {offsets = [256, 0], sizes = [256, 64], strides = [1, 1]} : vector<2048x64xf32> to vector<256x64xf32>
    %dot_general3A_270 = arith.constant dense<0.000000e+00> : vector<256x64xf32>
    %dot_general3A_271 = tpu.matmul %convert_element_type3A_183, %slice3A_269, %dot_general3A_270 {dimension_numbers = #tpu.dot_dimension_numbers<[1], [0], [0], [1], [0, 0, 1, 1], [], []>, transpose_lhs_hint = false} : vector<256x256xf32>, vector<256x64xf32>, vector<256x64xf32> -> vector<256x64xf32>
    %add3A_272 = vector.broadcast %add3A_268 : vector<1x64xf32> to vector<256x64xf32>
    %add3A_273 = arith.addf %dot_general3A_271, %add3A_272 : vector<256x64xf32>
    %reduce_sum3A_274 = arith.constant dense<0.000000e+00> : vector<64xf32>
    %reduce_sum3A_275 = vector.multi_reduction <add>, %slice3A_269, %reduce_sum3A_274 [0] : vector<256x64xf32> to vector<64xf32>
    %broadcast_in_dim3A_276 = vector.shape_cast %reduce_sum3A_275 : vector<64xf32> to vector<1x64xf32>
    %add3A_277 = arith.addf %add3A_268, %broadcast_in_dim3A_276 : vector<1x64xf32>
    %slice3A_278 = vector.extract_strided_slice %convert_element_type3A_52 {offsets = [512, 0], sizes = [256, 64], strides = [1, 1]} : vector<2048x64xf32> to vector<256x64xf32>
    %dot_general3A_279 = arith.constant dense<0.000000e+00> : vector<256x64xf32>
    %dot_general3A_280 = tpu.matmul %convert_element_type3A_183, %slice3A_278, %dot_general3A_279 {dimension_numbers = #tpu.dot_dimension_numbers<[1], [0], [0], [1], [0, 0, 1, 1], [], []>, transpose_lhs_hint = false} : vector<256x256xf32>, vector<256x64xf32>, vector<256x64xf32> -> vector<256x64xf32>
    %add3A_281 = vector.broadcast %add3A_277 : vector<1x64xf32> to vector<256x64xf32>
    %add3A_282 = arith.addf %dot_general3A_280, %add3A_281 : vector<256x64xf32>
    %reduce_sum3A_283 = arith.constant dense<0.000000e+00> : vector<64xf32>
    %reduce_sum3A_284 = vector.multi_reduction <add>, %slice3A_278, %reduce_sum3A_283 [0] : vector<256x64xf32> to vector<64xf32>
    %broadcast_in_dim3A_285 = vector.shape_cast %reduce_sum3A_284 : vector<64xf32> to vector<1x64xf32>
    %add3A_286 = arith.addf %add3A_277, %broadcast_in_dim3A_285 : vector<1x64xf32>
    %slice3A_287 = vector.extract_strided_slice %convert_element_type3A_52 {offsets = [768, 0], sizes = [256, 64], strides = [1, 1]} : vector<2048x64xf32> to vector<256x64xf32>
    %dot_general3A_288 = arith.constant dense<0.000000e+00> : vector<256x64xf32>
    %dot_general3A_289 = tpu.matmul %convert_element_type3A_183, %slice3A_287, %dot_general3A_288 {dimension_numbers = #tpu.dot_dimension_numbers<[1], [0], [0], [1], [0, 0, 1, 1], [], []>, transpose_lhs_hint = false} : vector<256x256xf32>, vector<256x64xf32>, vector<256x64xf32> -> vector<256x64xf32>
    %add3A_290 = vector.broadcast %add3A_286 : vector<1x64xf32> to vector<256x64xf32>
    %add3A_291 = arith.addf %dot_general3A_289, %add3A_290 : vector<256x64xf32>
    %reduce_sum3A_292 = arith.constant dense<0.000000e+00> : vector<64xf32>
    %reduce_sum3A_293 = vector.multi_reduction <add>, %slice3A_287, %reduce_sum3A_292 [0] : vector<256x64xf32> to vector<64xf32>
    %broadcast_in_dim3A_294 = vector.shape_cast %reduce_sum3A_293 : vector<64xf32> to vector<1x64xf32>
    %add3A_295 = arith.addf %add3A_286, %broadcast_in_dim3A_294 : vector<1x64xf32>
    %slice3A_296 = vector.extract_strided_slice %convert_element_type3A_52 {offsets = [1024, 0], sizes = [256, 64], strides = [1, 1]} : vector<2048x64xf32> to vector<256x64xf32>
    %dot_general3A_297 = arith.constant dense<0.000000e+00> : vector<256x64xf32>
    %dot_general3A_298 = tpu.matmul %convert_element_type3A_183, %slice3A_296, %dot_general3A_297 {dimension_numbers = #tpu.dot_dimension_numbers<[1], [0], [0], [1], [0, 0, 1, 1], [], []>, transpose_lhs_hint = false} : vector<256x256xf32>, vector<256x64xf32>, vector<256x64xf32> -> vector<256x64xf32>
    %add3A_299 = vector.broadcast %add3A_295 : vector<1x64xf32> to vector<256x64xf32>
    %add3A_300 = arith.addf %dot_general3A_298, %add3A_299 : vector<256x64xf32>
    %reduce_sum3A_301 = arith.constant dense<0.000000e+00> : vector<64xf32>
    %reduce_sum3A_302 = vector.multi_reduction <add>, %slice3A_296, %reduce_sum3A_301 [0] : vector<256x64xf32> to vector<64xf32>
    %broadcast_in_dim3A_303 = vector.shape_cast %reduce_sum3A_302 : vector<64xf32> to vector<1x64xf32>
    %add3A_304 = arith.addf %add3A_295, %broadcast_in_dim3A_303 : vector<1x64xf32>
    %slice3A_305 = vector.extract_strided_slice %convert_element_type3A_52 {offsets = [1280, 0], sizes = [256, 64], strides = [1, 1]} : vector<2048x64xf32> to vector<256x64xf32>
    %dot_general3A_306 = arith.constant dense<0.000000e+00> : vector<256x64xf32>
    %dot_general3A_307 = tpu.matmul %convert_element_type3A_183, %slice3A_305, %dot_general3A_306 {dimension_numbers = #tpu.dot_dimension_numbers<[1], [0], [0], [1], [0, 0, 1, 1], [], []>, transpose_lhs_hint = false} : vector<256x256xf32>, vector<256x64xf32>, vector<256x64xf32> -> vector<256x64xf32>
    %add3A_308 = vector.broadcast %add3A_304 : vector<1x64xf32> to vector<256x64xf32>
    %add3A_309 = arith.addf %dot_general3A_307, %add3A_308 : vector<256x64xf32>
    %reduce_sum3A_310 = arith.constant dense<0.000000e+00> : vector<64xf32>
    %reduce_sum3A_311 = vector.multi_reduction <add>, %slice3A_305, %reduce_sum3A_310 [0] : vector<256x64xf32> to vector<64xf32>
    %broadcast_in_dim3A_312 = vector.shape_cast %reduce_sum3A_311 : vector<64xf32> to vector<1x64xf32>
    %add3A_313 = arith.addf %add3A_304, %broadcast_in_dim3A_312 : vector<1x64xf32>
    %slice3A_314 = vector.extract_strided_slice %convert_element_type3A_52 {offsets = [1536, 0], sizes = [256, 64], strides = [1, 1]} : vector<2048x64xf32> to vector<256x64xf32>
    %dot_general3A_315 = arith.constant dense<0.000000e+00> : vector<256x64xf32>
    %dot_general3A_316 = tpu.matmul %convert_element_type3A_183, %slice3A_314, %dot_general3A_315 {dimension_numbers = #tpu.dot_dimension_numbers<[1], [0], [0], [1], [0, 0, 1, 1], [], []>, transpose_lhs_hint = false} : vector<256x256xf32>, vector<256x64xf32>, vector<256x64xf32> -> vector<256x64xf32>
    %add3A_317 = vector.broadcast %add3A_313 : vector<1x64xf32> to vector<256x64xf32>
    %add3A_318 = arith.addf %dot_general3A_316, %add3A_317 : vector<256x64xf32>
    %reduce_sum3A_319 = arith.constant dense<0.000000e+00> : vector<64xf32>
    %reduce_sum3A_320 = vector.multi_reduction <add>, %slice3A_314, %reduce_sum3A_319 [0] : vector<256x64xf32> to vector<64xf32>
    %broadcast_in_dim3A_321 = vector.shape_cast %reduce_sum3A_320 : vector<64xf32> to vector<1x64xf32>
    %add3A_322 = arith.addf %add3A_313, %broadcast_in_dim3A_321 : vector<1x64xf32>
    %slice3A_323 = vector.extract_strided_slice %convert_element_type3A_52 {offsets = [1792, 0], sizes = [256, 64], strides = [1, 1]} : vector<2048x64xf32> to vector<256x64xf32>
    %dot_general3A_324 = arith.constant dense<0.000000e+00> : vector<256x64xf32>
    %dot_general3A_325 = tpu.matmul %convert_element_type3A_183, %slice3A_323, %dot_general3A_324 {dimension_numbers = #tpu.dot_dimension_numbers<[1], [0], [0], [1], [0, 0, 1, 1], [], []>, transpose_lhs_hint = false} : vector<256x256xf32>, vector<256x64xf32>, vector<256x64xf32> -> vector<256x64xf32>
    %add3A_326 = vector.broadcast %add3A_322 : vector<1x64xf32> to vector<256x64xf32>
    %add3A_327 = arith.addf %dot_general3A_325, %add3A_326 : vector<256x64xf32>
    %concatenate3A_328 = tpu.concatenate %add3A_264, %add3A_273, %add3A_282, %add3A_291, %add3A_300, %add3A_309, %add3A_318, %add3A_327 in 0 : vector<256x64xf32>, vector<256x64xf32>, vector<256x64xf32>, vector<256x64xf32>, vector<256x64xf32>, vector<256x64xf32>, vector<256x64xf32>, vector<256x64xf32> -> vector<2048x64xf32>
    %mul3A_329 = arith.mulf %concatenate3A_328, %convert_element_type3A_52 : vector<2048x64xf32>
    %reduce_sum3A_330 = arith.constant dense<0.000000e+00> : vector<2048xf32>
    %reduce_sum3A_331 = vector.multi_reduction <add>, %mul3A_329, %reduce_sum3A_330 [1] : vector<2048x64xf32> to vector<2048xf32>
    %broadcast_in_dim3A_332 = vector.shape_cast %reduce_sum3A_331 : vector<2048xf32> to vector<2048x1xf32>
    %mul3A_333 = vector.broadcast %dot_general3A_175 : vector<1x64xf32> to vector<2048x64xf32>
    %mul3A_334 = arith.mulf %convert_element_type3A_32, %mul3A_333 : vector<2048x64xf32>
    %reduce_sum3A_335 = arith.constant dense<0.000000e+00> : vector<2048xf32>
    %reduce_sum3A_336 = vector.multi_reduction <add>, %mul3A_334, %reduce_sum3A_335 [1] : vector<2048x64xf32> to vector<2048xf32>
    %broadcast_in_dim3A_337 = vector.shape_cast %reduce_sum3A_336 : vector<2048xf32> to vector<2048x1xf32>
    %add3A_338 = arith.addf %broadcast_in_dim3A_337, %broadcast_in_dim3A_257 : vector<2048x1xf32>
    %reshape3A_339 = vector.shape_cast %reduce_sum3A_71 : vector<64xf32> to vector<1x64xf32>
    %add3A_340 = arith.addf %dot_general3A_175, %reshape3A_339 : vector<1x64xf32>
    %mul3A_341 = vector.broadcast %add3A_340 : vector<1x64xf32> to vector<2048x64xf32>
    %mul3A_342 = arith.mulf %convert_element_type3A_52, %mul3A_341 : vector<2048x64xf32>
    %reduce_sum3A_343 = arith.constant dense<0.000000e+00> : vector<2048xf32>
    %reduce_sum3A_344 = vector.multi_reduction <add>, %mul3A_342, %reduce_sum3A_343 [1] : vector<2048x64xf32> to vector<2048xf32>
    %broadcast_in_dim3A_345 = vector.shape_cast %reduce_sum3A_344 : vector<2048xf32> to vector<2048x1xf32>
    %add3A_346 = arith.addf %broadcast_in_dim3A_345, %broadcast_in_dim3A_332 : vector<2048x1xf32>
    %convert_element_type3A_347 = arith.fptosi %add3A_338 : vector<2048x1xf32> to vector<2048x1xi32>
    %swap3A_348 = arith.constant 0 : index
    %swap3A_349 = arith.constant 0 : index
    %swap3A_350 = vector.load %arg2[%swap3A_348, %swap3A_349] : memref<2048x1xi32, #tpu.memory_space<vmem>>, vector<2048x1xi32>
    tpu.vector_store %arg2[%swap3A_348, %swap3A_349], %convert_element_type3A_347 {strides = array<i32>} : memref<2048x1xi32, #tpu.memory_space<vmem>>, vector<2048x1xi32>,
    %convert_element_type3A_351 = arith.fptosi %add3A_346 : vector<2048x1xf32> to vector<2048x1xi32>
    %swap3A_352 = arith.constant 0 : index
    %swap3A_353 = arith.constant 0 : index
    %swap3A_354 = vector.load %arg3[%swap3A_352, %swap3A_353] : memref<2048x1xi32, #tpu.memory_space<vmem>>, vector<2048x1xi32>
    tpu.vector_store %arg3[%swap3A_352, %swap3A_353], %convert_element_type3A_351 {strides = array<i32>} : memref<2048x1xi32, #tpu.memory_space<vmem>>, vector<2048x1xi32>,
    return
  }
}

</mosaic_0001>

<sc_bundles>
// kernel: kernel.10.cloned.1.call-start
scs
__scs_entry_jumppad:
0x0: {  	(pc) =	sbr.rel $0x88, $3  }
0x1: {  	(tag) =	ssettag $0x0;
	lr =	simm.s32 $0x1  }
0x2: {  	[smem:$0x3F9C] =	sst lr;
	_ =	strace $0xD0000000  }
0x3: {  	_ = 	snop  }
0x4: {  	_ = 	snop  }
0x5: {  	_ = 	snop  }
0x6: {  	_ = 	snop  }
0x7: {  	_ = 	snop  }
__scs_overlays_trampoline_lowered:
0x8: {  	[smem:$0x3FAB] =	sst s0  }
0x9: {  	[smem:$0x3FAC] =	sst s1  }
0xa: {  	[smem:$0x3FAD] =	sst s2  }
0xb: {  	[smem:$0x3FAE] =	sst s3  }
0xc: {  	[smem:$0x3FAF] =	sst s4  }
0xd: {  	[smem:$0x3FB0] =	sst s5  }
0xe: {  	[smem:$0x3FB1] =	sst s6  }
0xf: {  	[smem:$0x3FB2] =	sst s7  }
0x10: {  	[smem:$0x3FB3] =	sst s8  }
0x11: {  	[smem:$0x3FB4] =	sst s9;
	s0 =	simm.s32 @!p0 $0x0  }
0x12: {  	s1 =	sld [smem:$0x3F9A];
	s0 =	simm.s32 @p0 $0x1  }
0x13: {  	[smem:$0x3FB5] =	sst s0;
	s0 =	simm.s32 @!p1 $0x0  }
0x14: {  	s2 =	sld [smem:$0x3F99];
	s0 =	simm.s32 @p1 $0x1  }
0x15: {  	[smem:$0x3FB6] =	sst s0;
	s0 =	simm.s32 @!p2 $0x0  }
0x16: {  	s3 =	sld [smem:$0x3FDB];
	s0 =	simm.s32 @p2 $0x1  }
0x17: {  	s4 =	simm.s32 $0x1BF5;
	[smem:$0x3FB8] =	sst s0  }
0x18: {  	s0 =	sld [smem:$0x3F9B];
	_ =	swait.ge [sflag:s4], $0x0  }
0x19: {  	s7 =	sld [smem:$0x3F9C]  }
0x1a: {  	s8 =	sadd.s32 $0xFFFFE003, lr  }
0x1b: {  	s9 =	sadd.s32 $0xFFFFFEF7, lr;
	s5 =	simm.s32 $0xFFFFFFFF;
	p2 =	slt.u32 s8, $0xFFFFF086  }
0x1c: {  	p1 =	slt.u32 s9, $0xF7A;
	s5 =	simm.s32 @!p2 $0x0  }
0x1d: {  	s5 =	simm.s32 @p1 $0x1;
	p0 =	seq.s32 s7, s2  }
0x1e: {  	s7 =	smul.u32 @!p0 $0xF7A, s2;
	p2 =	seq.s32 @!p0 s5, $0x0  }
0x1f: {  	s9 =	smul.u32 $0xF7A, s1;
	s8 =	simm.s32 @!p0 $0x1BF5;
	p2 =	por !p2, p0  }
0x20: {  	[sflag:s8] =	ssyncset.s32 @!p0 $0xFFFFF086;
	s6 =	sadd.s32 @!p0 s3, s7;
	s7 =	simm.s32 @!p0 $0x108  }
0x21: {  	s3 =	sadd.s32 s3, s9;
	s6 =	sadd.s32 @!p0 $0x88, s6;
	s7 =	simm.s32 @p2 $0x1082  }
0x22: {  	[simem:s7], [sflag:s8] =	dma.local @!p0 [hbm:s6], $0xF7A  }
0x23: {  	s9 =	sor.u32 $0xD0000000, s2;
	s6 =	simm.s32 $0x108;
	_ =	swait.ge @!p0 [sflag:s8], $0x0  }
0x24: {  	s3 =	sadd.s32 $0x88, s3;
	s6 =	simm.s32 @!p1 $0x1082;
	[sflag:s4] =	ssyncset.s32 $0xFFFFF086  }
0x25: {  	[simem:s6], [sflag:s4] =	dma.local [hbm:s3], $0xF7A  }
0x26: {  	[smem:$0x3F9C] =	sst s1;
	(tag) =	ssettag s2;
	_ =	strace s9  }
0x27: {  	s1 =	sld [smem:$0x3FAC]  }
0x28: {  	s2 =	sld [smem:$0x3FAD]  }
0x29: {  	s4 =	sld [smem:$0x3FAF]  }
0x2a: {  	p0 =	seq.s32 s5, $0x0;
	s5 =	sld [smem:$0x3FB0]  }
0x2b: {  	s6 =	sld [smem:$0x3FB1]  }
0x2c: {  	s7 =	sld [smem:$0x3FB2]  }
0x2d: {  	s3 =	simm.s32 $0x108;
	s8 =	sld [smem:$0x3FB3]  }
0x2e: {  	s3 =	simm.s32 @!p0 $0x1082;
	s9 =	sld [smem:$0x3FB4]  }
0x2f: {  	lr =	sadd.s32 s0, s3;
	s0 =	sld [smem:$0x3FAB]  }
0x30: {  	s3 =	sld [smem:$0x3FAE]  }
0x31: {  	[smem:$0x3FB7] =	sst s10  }
0x32: {  	s10 =	sld [smem:$0x3FB5];
	_ =	sdelay $0x3  }
0x33: {  	p0 =	seq.s32 s10, $0x1;
	s10 =	sld [smem:$0x3FB7];
	_ =	sdelay $0x3  }
0x34: {  	[smem:$0x3FB7] =	sst s10  }
0x35: {  	s10 =	sld [smem:$0x3FB6];
	_ =	sdelay $0x3  }
0x36: {  	p1 =	seq.s32 s10, $0x1;
	s10 =	sld [smem:$0x3FB7];
	_ =	sdelay $0x3  }
0x37: {  	[smem:$0x3FB7] =	sst s10  }
0x38: {  	s10 =	sld [smem:$0x3FB8]  }
0x39: {  	_ = 	snop;
	(pc) =	sbr.ind lr, $3  }
0x3a: {  	_ = 	snop  }
0x3b: {  	_ = 	snop  }
0x3c: {  	p2 =	seq.s32 s10, $0x1;
	s10 =	sld [smem:$0x3FB7]  }
0x3d: {  	_ =	shalt  }
0x3e: {  	_ =	shalt  }
0x3f: {  	_ =	shalt  }
0x40: {  	_ =	shalt  }
0x41: {  	_ =	shalt  }
0x42: {  	_ =	shalt  }
0x43: {  	_ =	shalt  }
0x44: {  	_ =	shalt  }
0x45: {  	_ =	shalt  }
0x46: {  	_ =	shalt  }
0x47: {  	_ =	shalt  }
0x48: {  	_ =	shalt  }
0x49: {  	_ =	shalt  }
0x4a: {  	_ =	shalt  }
0x4b: {  	_ =	shalt  }
0x4c: {  	_ =	shalt  }
0x4d: {  	_ =	shalt  }
0x4e: {  	_ =	shalt  }
0x4f: {  	_ =	shalt  }
0x50: {  	_ =	shalt  }
0x51: {  	_ =	shalt  }
0x52: {  	_ =	shalt  }
0x53: {  	_ =	shalt  }
0x54: {  	_ =	shalt  }
0x55: {  	_ =	shalt  }
0x56: {  	_ =	shalt  }
0x57: {  	_ =	shalt  }
0x58: {  	_ =	shalt  }
0x59: {  	_ =	shalt  }
0x5a: {  	_ =	shalt  }
0x5b: {  	_ =	shalt  }
0x5c: {  	_ =	shalt  }
0x5d: {  	_ =	shalt  }
0x5e: {  	_ =	shalt  }
0x5f: {  	_ =	shalt  }
0x60: {  	_ =	shalt  }
0x61: {  	_ =	shalt  }
0x62: {  	_ =	shalt  }
0x63: {  	_ =	shalt  }
0x64: {  	_ =	shalt  }
0x65: {  	_ =	shalt  }
0x66: {  	_ =	shalt  }
0x67: {  	_ =	shalt  }
0x68: {  	_ =	shalt  }
0x69: {  	_ =	shalt  }
0x6a: {  	_ =	shalt  }
0x6b: {  	_ =	shalt  }
0x6c: {  	_ =	shalt  }
0x6d: {  	_ =	shalt  }
0x6e: {  	_ =	shalt  }
0x6f: {  	_ =	shalt  }
0x70: {  	_ =	shalt  }
0x71: {  	_ =	shalt  }
0x72: {  	_ =	shalt  }
0x73: {  	_ =	shalt  }
0x74: {  	_ =	shalt  }
0x75: {  	_ =	shalt  }
0x76: {  	_ =	shalt  }
0x77: {  	_ =	shalt  }
0x78: {  	_ =	shalt  }
0x79: {  	_ =	shalt  }
0x7a: {  	_ =	shalt  }
0x7b: {  	_ =	shalt  }
0x7c: {  	_ =	shalt  }
0x7d: {  	_ =	shalt  }
0x7e: {  	_ =	shalt  }
0x7f: {  	_ =	shalt  }
0x80: {  	_ =	shalt  }
0x81: {  	_ =	shalt  }
0x82: {  	_ =	shalt  }
0x83: {  	_ =	shalt  }
0x84: {  	_ =	shalt  }
0x85: {  	_ =	shalt  }
0x86: {  	_ =	shalt  }
0x87: {  	_ =	shalt  }
.Lfunc_end0:
.L_simem_size_0:
called_computation.1_lowered:
.L_overlay_start_0:
0x88: {  	s2 =	sld [smem:$0x3FD9]  }
0x89: {  	s3 =	sld [smem:$0x3FFE];
	_ =	sdelay $0x1  }
0x8a: {  	s1 =	srdreg.scid  }
0x8b: {  	s0 =	sand.u32 $0x1, s1  }
0x8c: {  	s14 =	sshll.u32 s0, $0xA;
	s2 =	sadd.s32 s3, s2  }
0x8d: {  	s2 =	sadd.s32 s2, s14  }
0x8e: {  	[smem:$0x3FC3] =	sst s2  }
0x8f: {  	_ = 	snop  }
0x90: {  	s2 =	sld [smem:$0x3FD0];
	_ =	sdelay $0x2  }
0x91: {  	s15 =	simm.s32 $0xA;
	s4 =	simm.s32 $0x10  }
0x92: {  	[smem:s4], [sflag:s15] =	dma.local [hbm:s2], $0x1  }
0x93: {  	_ =	swait.eq [sflag:s15], $0x1  }
0x94: {  	[sflag:s15] =	ssyncset.done $0x0  }
0x95: {  	[sflag:s15] =	ssyncadd.s32 $0xFFFFFFFF  }
0x96: {  	s16 =	sld [smem:$0x10];
	(tm) =	ssettm $0x1  }
0x97: {  	s17 =	sld [smem:$0x3FFB];
	_ =	sdelay $0x3  }
0x98: {  	_ =	strace s17  }
0x99: {  	s3 =	sld [smem:$0x3FFC];
	_ =	sdelay $0x3  }
0x9a: {  	_ =	strace s3  }
0x9b: {  	s3 =	sld [smem:$0x3FFD];
	_ =	sdelay $0x3  }
0x9c: {  	_ =	strace s3  }
0x9d: {  	_ =	strace $0x8FFFFFFF  }
0x9e: {  	s18 =	sld [smem:$0x3FDB];
	_ =	sdelay $0x1  }
0x9f: {  	s19 =	simm.s32 $_scs_section_size  }
0xa0: {  	s5 =	simm.s32 $_size__tile_overlayer_lowered;
	s6 =	simm.s32 $_tile_overlayer_lowered  }
0xa1: {  	s22 =	simm.s32 $0x1BFF;
	s21 =	sshll.u32 s6, $0x1;
	s3 =	sadd.s32 s19, s18  }
0xa2: {  	s7 =	simm.s32 $0x0;
	s20 =	sshll.u32 s5, $0x1;
	s5 =	sadd.s32 s21, s3  }
0xa3: {  	[timem:s7], [sflag:s22] =	dma.local [hbm:s5], s20  }
0xa4: {  	_ =	swait.ge [sflag:s22], s20  }
0xa5: {  	s4 =	ssub.s32 $0x0, s20;
	[sflag:s22] =	ssyncset.done $0x0  }
0xa6: {  	[sflag:s22] =	ssyncadd.s32 s4;
	_ =	sdelay $0x1  }
0xa7: {  	s23 =	simm.s32 $0x1B8B  }
0xa8: {  	_ =	swait.ge [sflag:s23], $0x1  }
0xa9: {  	[sflag:s23] =	ssyncset.done $0x0  }
0xaa: {  	s25 =	simm.s32 $0x1B8E;
	s24 =	sld [smem:$0x3FFE];
	[sflag:s23] =	ssyncadd.s32 $0xFFFFFFFF  }
0xab: {  	s26 =	simm.s32 $execute0_lowered;
	[smem:$0x3FD2] =	sst s25  }
0xac: {  	s5 =	sshll.u32 s26, $0x1;
	_ =	strace $0x80000049;
	[dreg:$0x1] =	wrdreg $0xFFFFFFFF  }
0xad: {  	s28 =	simm.s32 $_size_execute0_lowered;
	s3 =	sadd.s32 s3, s5;
	[dreg:$0x0] =	wrdreg $0x0  }
0xae: {  	s5 =	sshll.u32 s28, $0x1;
	[dreg:$0x2] =	wrdreg s3  }
0xaf: {  	[dreg:$0x3] =	wrdreg s5  }
0xb0: {  	[dreg:$0x4] =	wrdreg $0xC0  }
0xb1: {  	_ =	task [dreg:s7], $0x5FFFF  }
0xb2: {  	[dreg:$0x1] =	wrdreg $0xFFFFFFFF  }
0xb3: {  	[dreg:$0x0] =	wrdreg $0x60  }
0xb4: {  	[dreg:$0x2] =	wrdreg s24  }
0xb5: {  	[dreg:$0x3] =	wrdreg s16  }
0xb6: {  	[dreg:$0x4] =	wrdreg $0x9  }
0xb7: {  	_ =	task.clear_ibuf [dreg:s7], $0x5FFFF;
	_ =	strace $0x90000049  }
0xb8: {  	s29 =	simm.s32 $0x9;
	_ =	strace $0x8000004B  }
0xb9: {  	_ =	swait.ge [sflag:s29], $0x1  }
0xba: {  	[sflag:s29] =	ssyncadd.s32 $0xFFFFFFFF  }
0xbb: {  	_ =	strace $0x9000004B  }
0xbc: {  	_ =	sfence  }
0xbd: {  	s30 =	sld [smem:$0x0];
	_ =	sdelay $0x2  }
0xbe: {  	s31 =	sshll.u32 s1, $0xD;
	s1 =	sshrl.u32 s1, $0x2  }
0xbf: {  	s3 =	sand.u32 $0x4000, s31;
	s1 =	sadd.s32 s1, s30  }
0xc0: {  	s0 =	sor.u32 s3, s0;
	s1 =	sshll.u32 s1, $0x11  }
0xc1: {  	s0 =	sor.u32 s1, s0  }
0xc2: {  	s0 =	sadd.s32 $0x8F2B, s0  }
0xc3: {  	[sflag:s0] =	ssyncadd.remote.s32 $0x1  }
0xc4: {  	_ =	sfence.sel $0xFFFF  }
0xc5: {  	[dreg:$0x0] =	wrdreg $0xFFFFFFFF;
	(pc) =	sbr.abs _section_cstart, $3  }
0xc6: {  	[dreg:$0x1] =	wrdreg $0xFFFFFFFF  }
0xc7: {  	_ =	task.clear_ibuf [dreg:s7], $0x2FFFF;
	_ =	strace $0x9FFFFFFF  }
0xc8: {  	(tm) =	ssettm $0x7FFFFFFF  }
0xc9: {  	_ =	shalt  }
tec
execute0_lowered:
.L_overlay_start_1:
0x0: {  	(tag) =	ssettag $0x1  }
0x1: {  	s0 =	srdreg.scid;
	s1 =	rddreg [dreg:$0x0]  }
0x2: {  	s2 =	stileid.u32;
	s4 =	rddreg [dreg:$0x1];
	s10 =	simm.s32 $0x880  }
0x3: {  	s11 =	simm.s32 $0x1080;
	s12 =	simm.s32 $0x1880;
	s13 =	simm.s32 $0x2080  }
0x4: {  	s14 =	simm.s32 $0x2880;
	s15 =	simm.s32 $0x3080;
	s16 =	simm.s32 $0x3880  }
0x5: {  	s17 =	simm.s32 $0x4080;
	s18 =	simm.s32 $0x4880;
	s19 =	simm.s32 $0x5080  }
0x6: {  	s20 =	simm.s32 $0x5880;
	s21 =	simm.s32 $0x6080;
	s22 =	simm.s32 $0x6880  }
0x7: {  	s23 =	simm.s32 $0x7080;
	s28 =	simm.s32 $0x9080;
	s29 =	simm.s32 $0x9880  }
0x8: {  	s30 =	simm.s32 $0xA080;
	s31 =	simm.s32 $0xA880;
	s0 =	sand.u32 $0x1, s0  }
0x9: {  	s3 =	sshll.u32 s2, $0x4;
	s2 =	simm.s32 $0x0;
	s5 =	sshll.u32 s0, $0x3  }
0xa: {  	[smem:$0x7FF] =	sst s2;
	s0 =	ssub.s32 $0x2, s0;
	s3 =	sor.u32 s5, s3  }
0xb: {  	_ =	strace $0x8000004A;
	s24 =	sshrl.u32 s0, $0x1;
	s5 =	smul.u32 $0x300, s3  }
0xc: {  	s6 =	sadd.s32 s3, s1;
	s3 =	sadd.s32 $0x49A00, s1;
	s0 =	ssub.s32 s0, s24  }
0xd: {  	s24 =	simm.s32 $0x7880;
	s8 =	sadd.s32 $0x11E00, s6;
	s25 =	sadd.s32 $0x12000, s6  }
0xe: {  	s6 =	smax.u32 s0, $0x1;
	s0 =	simm.s32 $0x1;
	[dreg:$0x3] =	wrdreg s8  }
0xf: {  	s7 =	sadd.s32 s5, s1;
	s4 =	sadd.s32 s4, s5;
	[dreg:$0x5] =	wrdreg s25  }
0x10: {  	v2 =	vlaneseq.u32;
	s5 =	sadd.s32 $0x49C00, s1;
	s25 =	simm.s32 $0x8080;
	[dreg:$0x4] =	wrdreg s4  }
0x11: {  	vm0 =	vmmov $0xffff;
	v1 =	vshrl.u32 v2, $0x3;
	s26 =	sadd.s32 $0x12200, s7;
	s4 =	sadd.s32 $0x49B00, s1;
	s7 =	simm.s32 $0x2  }
0x12: {  	v0 =	vand.u32 $0x7, v2;
	v2 =	vor.u32 $0x8, v2;
	v1 =	vmul.u32 $0x8, v1;
	s1 =	simm.s32 $0x80;
	[dreg:$0x6] =	wrdreg s26;
	s26 =	simm.s32 $0x8880  }
.LBB2_1:
0x13: {  	s9 =	rddreg [dreg:$0x3]  }
0x14: {  	[tilespmem:s2], [sflag:$0x2] =	stream.linear.gather [hbm4b:s9+s2], $0x40, $0x38;
	[tilespmem:$0xC080] =	vst v63  }
0x15: {  	_ =	swait.ge [sflag:s7], $0x40  }
0x16: {  	[sflag:s7] =	ssyncset.done $0x0  }
0x17: {  	[sflag:s7] =	ssyncadd.s32 $0xFFFFFFC0  }
0x18: {  	v3 =	vld [tilespmem:$0x0];
	_ =	sdelay $0x4  }
0x19: {  	v4 =	vshrl.u32 v3, $0x3  }
0x1a: {  	v4 =	vmul.u32 $0x30, v4  }
0x1b: {  	v3 =	vand.u32 $0x7, v3  }
0x1c: {  	v3 =	vor.u32 v3, v4  }
0x1d: {  	v4 =	vperm.xlane v3, v0;
	_ =	sdelay $0x1  }
0x1e: {  	v4 =	vadd.s32 v1, v4;
	_ =	sdelay $0x3  }
0x1f: {  	v3 =	vperm.xlane v3, v2  }
0x20: {  	[tilespmem:s1], [sflag:$0x1] =	stream.indirect_vreg.gather [hbm4b:s3+s2], $0x80, v4, vm0, $0xb8;
	[tilespmem:$0xC080] =	vst v63  }
0x21: {  	v3 =	vadd.s32 v1, v3  }
0x22: {  	[tilespmem:s10], [sflag:$0x1] =	stream.indirect_vreg.gather [hbm4b:s4+s2], $0x80, v4, vm0, $0xb8;
	[tilespmem:$0xC080] =	vst v63  }
0x23: {  	_ = 	snop  }
0x24: {  	[tilespmem:s11], [sflag:$0x1] =	stream.indirect_vreg.gather [hbm4b:s5+s2], $0x80, v4, vm0, $0xb8;
	[tilespmem:$0xC080] =	vst v63  }
0x25: {  	_ = 	snop  }
0x26: {  	[tilespmem:s12], [sflag:$0x1] =	stream.indirect_vreg.gather [hbm4b:s3+s2], $0x80, v3, vm0, $0xb8;
	[tilespmem:$0xC080] =	vst v63  }
0x27: {  	_ = 	snop  }
0x28: {  	[tilespmem:s13], [sflag:$0x1] =	stream.indirect_vreg.gather [hbm4b:s4+s2], $0x80, v3, vm0, $0xb8;
	[tilespmem:$0xC080] =	vst v63  }
0x29: {  	_ = 	snop  }
0x2a: {  	[tilespmem:s14], [sflag:$0x1] =	stream.indirect_vreg.gather [hbm4b:s5+s2], $0x80, v3, vm0, $0xb8;
	[tilespmem:$0xC080] =	vst v63  }
0x2b: {  	v3 =	vld [tilespmem:$0x10];
	_ =	sdelay $0x4  }
0x2c: {  	v57 =	vshrl.u32 v3, $0x3  }
0x2d: {  	v4 =	vmul.u32 $0x30, v57  }
0x2e: {  	v3 =	vand.u32 $0x7, v3  }
0x2f: {  	v3 =	vor.u32 v3, v4  }
0x30: {  	v4 =	vperm.xlane v3, v0;
	_ =	sdelay $0x1  }
0x31: {  	v4 =	vadd.s32 v1, v4;
	_ =	sdelay $0x3  }
0x32: {  	v3 =	vperm.xlane v3, v2  }
0x33: {  	[tilespmem:s15], [sflag:$0x1] =	stream.indirect_vreg.gather [hbm4b:s3+s2], $0x80, v4, vm0, $0xb8;
	[tilespmem:$0xC080] =	vst v63  }
0x34: {  	v3 =	vadd.s32 v1, v3  }
0x35: {  	[tilespmem:s16], [sflag:$0x1] =	stream.indirect_vreg.gather [hbm4b:s4+s2], $0x80, v4, vm0, $0xb8;
	[tilespmem:$0xC080] =	vst v63  }
0x36: {  	_ = 	snop  }
0x37: {  	[tilespmem:s17], [sflag:$0x1] =	stream.indirect_vreg.gather [hbm4b:s5+s2], $0x80, v4, vm0, $0xb8;
	[tilespmem:$0xC080] =	vst v63  }
0x38: {  	_ = 	snop  }
0x39: {  	[tilespmem:s18], [sflag:$0x1] =	stream.indirect_vreg.gather [hbm4b:s3+s2], $0x80, v3, vm0, $0xb8;
	[tilespmem:$0xC080] =	vst v63  }
0x3a: {  	_ = 	snop  }
0x3b: {  	[tilespmem:s19], [sflag:$0x1] =	stream.indirect_vreg.gather [hbm4b:s4+s2], $0x80, v3, vm0, $0xb8;
	[tilespmem:$0xC080] =	vst v63  }
0x3c: {  	_ = 	snop  }
0x3d: {  	[tilespmem:s20], [sflag:$0x1] =	stream.indirect_vreg.gather [hbm4b:s5+s2], $0x80, v3, vm0, $0xb8;
	[tilespmem:$0xC080] =	vst v63  }
0x3e: {  	v3 =	vld [tilespmem:$0x20];
	_ =	sdelay $0x4  }
0x3f: {  	v58 =	vshrl.u32 v3, $0x3  }
0x40: {  	v4 =	vmul.u32 $0x30, v58  }
0x41: {  	v3 =	vand.u32 $0x7, v3  }
0x42: {  	v3 =	vor.u32 v3, v4  }
0x43: {  	v4 =	vperm.xlane v3, v0;
	_ =	sdelay $0x1  }
0x44: {  	v4 =	vadd.s32 v1, v4;
	_ =	sdelay $0x3  }
0x45: {  	v3 =	vperm.xlane v3, v2  }
0x46: {  	[tilespmem:s21], [sflag:$0x1] =	stream.indirect_vreg.gather [hbm4b:s3+s2], $0x80, v4, vm0, $0xb8;
	[tilespmem:$0xC080] =	vst v63  }
0x47: {  	v3 =	vadd.s32 v1, v3  }
0x48: {  	[tilespmem:s22], [sflag:$0x1] =	stream.indirect_vreg.gather [hbm4b:s4+s2], $0x80, v4, vm0, $0xb8;
	[tilespmem:$0xC080] =	vst v63  }
0x49: {  	_ = 	snop  }
0x4a: {  	[tilespmem:s23], [sflag:$0x1] =	stream.indirect_vreg.gather [hbm4b:s5+s2], $0x80, v4, vm0, $0xb8;
	[tilespmem:$0xC080] =	vst v63  }
0x4b: {  	_ = 	snop  }
0x4c: {  	[tilespmem:s24], [sflag:$0x1] =	stream.indirect_vreg.gather [hbm4b:s3+s2], $0x80, v3, vm0, $0xb8;
	[tilespmem:$0xC080] =	vst v63  }
0x4d: {  	_ = 	snop  }
0x4e: {  	[tilespmem:s25], [sflag:$0x1] =	stream.indirect_vreg.gather [hbm4b:s4+s2], $0x80, v3, vm0, $0xb8;
	[tilespmem:$0xC080] =	vst v63  }
0x4f: {  	_ = 	snop  }
0x50: {  	[tilespmem:s26], [sflag:$0x1] =	stream.indirect_vreg.gather [hbm4b:s5+s2], $0x80, v3, vm0, $0xb8;
	[tilespmem:$0xC080] =	vst v63  }
0x51: {  	v3 =	vld [tilespmem:$0x30];
	_ =	sdelay $0x4  }
0x52: {  	v59 =	vshrl.u32 v3, $0x3  }
0x53: {  	v4 =	vmul.u32 $0x30, v59  }
0x54: {  	v3 =	vand.u32 $0x7, v3  }
0x55: {  	v3 =	vor.u32 v3, v4  }
0x56: {  	v4 =	vperm.xlane v3, v0;
	_ =	sdelay $0x1  }
0x57: {  	v4 =	vadd.s32 v1, v4;
	_ =	sdelay $0x3  }
0x58: {  	v3 =	vperm.xlane v3, v2  }
0x59: {  	[tilespmem:s28], [sflag:$0x1] =	stream.indirect_vreg.gather [hbm4b:s3+s2], $0x80, v4, vm0, $0xb8;
	[tilespmem:$0xC080] =	vst v63  }
0x5a: {  	v3 =	vadd.s32 v1, v3  }
0x5b: {  	[tilespmem:s29], [sflag:$0x1] =	stream.indirect_vreg.gather [hbm4b:s4+s2], $0x80, v4, vm0, $0xb8;
	[tilespmem:$0xC080] =	vst v63  }
0x5c: {  	_ = 	snop  }
0x5d: {  	[tilespmem:s30], [sflag:$0x1] =	stream.indirect_vreg.gather [hbm4b:s5+s2], $0x80, v4, vm0, $0xb8;
	[tilespmem:$0xC080] =	vst v63  }
0x5e: {  	_ = 	snop  }
0x5f: {  	[tilespmem:s31], [sflag:$0x1] =	stream.indirect_vreg.gather [hbm4b:s3+s2], $0x80, v3, vm0, $0xb8;
	[tilespmem:$0xC080] =	vst v63  }
0x60: {  	s8 =	simm.s32 $0xB080  }
0x61: {  	[tilespmem:s8], [sflag:$0x1] =	stream.indirect_vreg.gather [hbm4b:s4+s2], $0x80, v3, vm0, $0xb8;
	[tilespmem:$0xC080] =	vst v63  }
0x62: {  	s8 =	simm.s32 $0xB880  }
0x63: {  	[tilespmem:s8], [sflag:$0x1] =	stream.indirect_vreg.gather [hbm4b:s5+s2], $0x80, v3, vm0, $0xb8;
	[tilespmem:$0xC080] =	vst v63  }
0x64: {  	_ =	swait.ge [sflag:s0], $0xC000  }
0x65: {  	[sflag:s0] =	ssyncset.done $0x0  }
0x66: {  	s9 =	rddreg [dreg:$0x4];
	[sflag:s0] =	ssyncadd.s32 $0xFFFF4000  }
0x67: {  	[hbm4b:s9+s2] =	stream.linear.scatter [tilespmem:s1], [sflag:$0x2], $0xC000, $0x38;
	[tilespmem:$0xC080] =	vst v63  }
0x68: {  	_ =	swait.ge [sflag:s7], $0xC000  }
0x69: {  	[sflag:s7] =	ssyncset.done $0x0  }
0x6a: {  	s9 =	rddreg [dreg:$0x5];
	[sflag:s7] =	ssyncadd.s32 $0xFFFF4000  }
0x6b: {  	[tilespmem:s2], [sflag:$0x2] =	stream.linear.gather [hbm4b:s9+s2], $0x40, $0x38;
	[tilespmem:$0xC080] =	vst v63  }
0x6c: {  	_ =	swait.ge [sflag:s7], $0x40  }
0x6d: {  	[sflag:s7] =	ssyncset.done $0x0  }
0x6e: {  	[sflag:s7] =	ssyncadd.s32 $0xFFFFFFC0  }
0x6f: {  	v3 =	vld [tilespmem:$0x0];
	_ =	sdelay $0x4  }
0x70: {  	v60 =	vshrl.u32 v3, $0x3  }
0x71: {  	v4 =	vmul.u32 $0x30, v60  }
0x72: {  	v3 =	vand.u32 $0x7, v3  }
0x73: {  	v3 =	vor.u32 v3, v4  }
0x74: {  	v4 =	vperm.xlane v3, v0;
	_ =	sdelay $0x1  }
0x75: {  	v4 =	vadd.s32 v1, v4;
	_ =	sdelay $0x3  }
0x76: {  	v3 =	vperm.xlane v3, v2  }
0x77: {  	[tilespmem:s1], [sflag:$0x1] =	stream.indirect_vreg.gather [hbm4b:s3+s2], $0x80, v4, vm0, $0xb8;
	[tilespmem:$0xC080] =	vst v63  }
0x78: {  	v3 =	vadd.s32 v1, v3  }
0x79: {  	[tilespmem:s10], [sflag:$0x1] =	stream.indirect_vreg.gather [hbm4b:s4+s2], $0x80, v4, vm0, $0xb8;
	[tilespmem:$0xC080] =	vst v63  }
0x7a: {  	_ = 	snop  }
0x7b: {  	[tilespmem:s11], [sflag:$0x1] =	stream.indirect_vreg.gather [hbm4b:s5+s2], $0x80, v4, vm0, $0xb8;
	[tilespmem:$0xC080] =	vst v63  }
0x7c: {  	_ = 	snop  }
0x7d: {  	[tilespmem:s12], [sflag:$0x1] =	stream.indirect_vreg.gather [hbm4b:s3+s2], $0x80, v3, vm0, $0xb8;
	[tilespmem:$0xC080] =	vst v63  }
0x7e: {  	_ = 	snop  }
0x7f: {  	[tilespmem:s13], [sflag:$0x1] =	stream.indirect_vreg.gather [hbm4b:s4+s2], $0x80, v3, vm0, $0xb8;
	[tilespmem:$0xC080] =	vst v63  }
0x80: {  	_ = 	snop  }
0x81: {  	[tilespmem:s14], [sflag:$0x1] =	stream.indirect_vreg.gather [hbm4b:s5+s2], $0x80, v3, vm0, $0xb8;
	[tilespmem:$0xC080] =	vst v63  }
0x82: {  	v3 =	vld [tilespmem:$0x10];
	_ =	sdelay $0x4  }
0x83: {  	v61 =	vshrl.u32 v3, $0x3  }
0x84: {  	v4 =	vmul.u32 $0x30, v61  }
0x85: {  	v3 =	vand.u32 $0x7, v3  }
0x86: {  	v3 =	vor.u32 v3, v4  }
0x87: {  	v4 =	vperm.xlane v3, v0;
	_ =	sdelay $0x1  }
0x88: {  	v4 =	vadd.s32 v1, v4;
	_ =	sdelay $0x3  }
0x89: {  	v3 =	vperm.xlane v3, v2  }
0x8a: {  	[tilespmem:s15], [sflag:$0x1] =	stream.indirect_vreg.gather [hbm4b:s3+s2], $0x80, v4, vm0, $0xb8;
	[tilespmem:$0xC080] =	vst v63  }
0x8b: {  	v3 =	vadd.s32 v1, v3  }
0x8c: {  	[tilespmem:s16], [sflag:$0x1] =	stream.indirect_vreg.gather [hbm4b:s4+s2], $0x80, v4, vm0, $0xb8;
	[tilespmem:$0xC080] =	vst v63  }
0x8d: {  	_ = 	snop  }
0x8e: {  	[tilespmem:s17], [sflag:$0x1] =	stream.indirect_vreg.gather [hbm4b:s5+s2], $0x80, v4, vm0, $0xb8;
	[tilespmem:$0xC080] =	vst v63  }
0x8f: {  	_ = 	snop  }
0x90: {  	[tilespmem:s18], [sflag:$0x1] =	stream.indirect_vreg.gather [hbm4b:s3+s2], $0x80, v3, vm0, $0xb8;
	[tilespmem:$0xC080] =	vst v63  }
0x91: {  	_ = 	snop  }
0x92: {  	[tilespmem:s19], [sflag:$0x1] =	stream.indirect_vreg.gather [hbm4b:s4+s2], $0x80, v3, vm0, $0xb8;
	[tilespmem:$0xC080] =	vst v63  }
0x93: {  	_ = 	snop  }
0x94: {  	[tilespmem:s20], [sflag:$0x1] =	stream.indirect_vreg.gather [hbm4b:s5+s2], $0x80, v3, vm0, $0xb8;
	[tilespmem:$0xC080] =	vst v63  }
0x95: {  	v3 =	vld [tilespmem:$0x20];
	_ =	sdelay $0x4  }
0x96: {  	v62 =	vshrl.u32 v3, $0x3  }
0x97: {  	v4 =	vmul.u32 $0x30, v62  }
0x98: {  	v3 =	vand.u32 $0x7, v3  }
0x99: {  	v3 =	vor.u32 v3, v4  }
0x9a: {  	v4 =	vperm.xlane v3, v0;
	_ =	sdelay $0x1  }
0x9b: {  	v4 =	vadd.s32 v1, v4;
	_ =	sdelay $0x3  }
0x9c: {  	v3 =	vperm.xlane v3, v2  }
0x9d: {  	[tilespmem:s21], [sflag:$0x1] =	stream.indirect_vreg.gather [hbm4b:s3+s2], $0x80, v4, vm0, $0xb8;
	[tilespmem:$0xC080] =	vst v63  }
0x9e: {  	v3 =	vadd.s32 v1, v3  }
0x9f: {  	[tilespmem:s22], [sflag:$0x1] =	stream.indirect_vreg.gather [hbm4b:s4+s2], $0x80, v4, vm0, $0xb8;
	[tilespmem:$0xC080] =	vst v63  }
0xa0: {  	_ = 	snop  }
0xa1: {  	[tilespmem:s23], [sflag:$0x1] =	stream.indirect_vreg.gather [hbm4b:s5+s2], $0x80, v4, vm0, $0xb8;
	[tilespmem:$0xC080] =	vst v63  }
0xa2: {  	_ = 	snop  }
0xa3: {  	[tilespmem:s24], [sflag:$0x1] =	stream.indirect_vreg.gather [hbm4b:s3+s2], $0x80, v3, vm0, $0xb8;
	[tilespmem:$0xC080] =	vst v63  }
0xa4: {  	_ = 	snop  }
0xa5: {  	[tilespmem:s25], [sflag:$0x1] =	stream.indirect_vreg.gather [hbm4b:s4+s2], $0x80, v3, vm0, $0xb8;
	[tilespmem:$0xC080] =	vst v63  }
0xa6: {  	_ = 	snop  }
0xa7: {  	[tilespmem:s26], [sflag:$0x1] =	stream.indirect_vreg.gather [hbm4b:s5+s2], $0x80, v3, vm0, $0xb8;
	[tilespmem:$0xC080] =	vst v63  }
0xa8: {  	v3 =	vld [tilespmem:$0x30];
	_ =	sdelay $0x4  }
0xa9: {  	v63 =	vshrl.u32 v3, $0x3  }
0xaa: {  	v4 =	vmul.u32 $0x30, v63  }
0xab: {  	v3 =	vand.u32 $0x7, v3  }
0xac: {  	v3 =	vor.u32 v3, v4  }
0xad: {  	v4 =	vperm.xlane v3, v0;
	_ =	sdelay $0x1  }
0xae: {  	v4 =	vadd.s32 v1, v4;
	_ =	sdelay $0x3  }
0xaf: {  	v3 =	vperm.xlane v3, v2  }
0xb0: {  	[tilespmem:s28], [sflag:$0x1] =	stream.indirect_vreg.gather [hbm4b:s3+s2], $0x80, v4, vm0, $0xb8;
	[tilespmem:$0xC080] =	vst v63  }
0xb1: {  	v3 =	vadd.s32 v1, v3  }
0xb2: {  	[tilespmem:s29], [sflag:$0x1] =	stream.indirect_vreg.gather [hbm4b:s4+s2], $0x80, v4, vm0, $0xb8;
	[tilespmem:$0xC080] =	vst v63  }
0xb3: {  	_ = 	snop  }
0xb4: {  	[tilespmem:s30], [sflag:$0x1] =	stream.indirect_vreg.gather [hbm4b:s5+s2], $0x80, v4, vm0, $0xb8;
	[tilespmem:$0xC080] =	vst v63  }
0xb5: {  	_ = 	snop  }
0xb6: {  	[tilespmem:s31], [sflag:$0x1] =	stream.indirect_vreg.gather [hbm4b:s3+s2], $0x80, v3, vm0, $0xb8;
	[tilespmem:$0xC080] =	vst v63  }
0xb7: {  	s9 =	simm.s32 $0xB080  }
0xb8: {  	[tilespmem:s9], [sflag:$0x1] =	stream.indirect_vreg.gather [hbm4b:s4+s2], $0x80, v3, vm0, $0xb8;
	[tilespmem:$0xC080] =	vst v63  }
0xb9: {  	_ = 	snop  }
0xba: {  	[tilespmem:s8], [sflag:$0x1] =	stream.indirect_vreg.gather [hbm4b:s5+s2], $0x80, v3, vm0, $0xb8;
	[tilespmem:$0xC080] =	vst v63  }
0xbb: {  	_ =	swait.ge [sflag:s0], $0xC000  }
0xbc: {  	p0 =	sne.s32 s6, $0x1;
	[sflag:s0] =	ssyncset.done $0x0  }
.Ltmp0:
0xbd: {  	s8 =	rddreg [dreg:$0x6];
	[sflag:s0] =	ssyncadd.s32 $0xFFFF4000;
	(pc) =	sbr.rel @p0 .LBB2_1-.Ltmp0, $4  }
0xbe: {  	[hbm4b:s8+s2] =	stream.linear.scatter [tilespmem:s1], [sflag:$0x2], $0xC000, $0x38;
	[tilespmem:$0xC080] =	vst v63  }
0xbf: {  	_ =	swait.ge [sflag:s7], $0xC000  }
0xc0: {  	[sflag:s7] =	ssyncset.done $0x0  }
0xc1: {  	s6 =	sadd.s32 $0xFFFFFFFF, s6;
	[sflag:s7] =	ssyncadd.s32 $0xFFFF4000  }
0xc2: {  	_ =	sfence.sel $0x180000  }
0xc3: {  	[bflag:$0x0] =	sbarrier.arrive $0xFFFF  }
0xc4: {  	_ =	strace $0x9000004A  }
0xc5: {  	s0 =	stileid.u32;
	[bflag:$0x2] =	sbarrier.arrive $0xFFFF  }
0xc6: {  	p0 =	sne.s32 s0, $0x0;
	s0 =	rddreg [dreg:$0x2]  }
0xc7: {  	s0 =	sadd.s32 @!p0 $0x100000, s0  }
0xc8: {  	[sflag:s0] =	ssyncadd.tile.s32 @!p0 $0x1;
	_ =	shalt  }
.Lfunc_end2:
_tile_overlayer_lowered:
.L_overlay_start_2:
0xc9: {  	(tag) =	ssettag $0x2  }
0xca: {  	s0 =	rddreg [dreg:$0x0];
	s2 =	stileid.u32  }
0xcb: {  	s1 =	rddreg [dreg:$0x1];
	p0 =	sne.s32 s2, $0x0  }
0xcc: {  	s3 =	rddreg [dreg:$0x2];
	[bflag:$0x3] =	sbarrier.arrive $0xFFFF;
	s2 =	simm.s32 @!p0 $0x1C02  }
0xcd: {  	[timem:s3], [sflag:s2] =	dma.local @!p0 [hbm:s0], s1  }
0xce: {  	s0 =	simm.s32 @!p0 $0x2  }
0xcf: {  	_ =	swait.ge @!p0 [sflag:s0], s1  }
0xd0: {  	s1 =	ssub.s32 @!p0 $0x0, s1;
	[sflag:s0] =	ssyncset.done @!p0 $0x0  }
0xd1: {  	[sflag:s0] =	ssyncadd.s32 @!p0 s1  }
0xd2: {  	[bflag:$0x3] =	sbarrier.arrive $0xFFFF  }
0xd3: {  	_ =	shalt  }

// kernel: kernel.7.cloned.1.call-start
scs
__scs_entry_jumppad:
0x0: {  	(pc) =	sbr.rel $0x88, $3  }
0x1: {  	(tag) =	ssettag $0x0;
	lr =	simm.s32 $0x1  }
0x2: {  	[smem:$0x3F9C] =	sst lr;
	_ =	strace $0xD0000000  }
0x3: {  	_ = 	snop  }
0x4: {  	_ = 	snop  }
0x5: {  	_ = 	snop  }
0x6: {  	_ = 	snop  }
0x7: {  	_ = 	snop  }
__scs_overlays_trampoline_lowered:
0x8: {  	[smem:$0x3FAB] =	sst s0  }
0x9: {  	[smem:$0x3FAC] =	sst s1  }
0xa: {  	[smem:$0x3FAD] =	sst s2  }
0xb: {  	[smem:$0x3FAE] =	sst s3  }
0xc: {  	[smem:$0x3FAF] =	sst s4  }
0xd: {  	[smem:$0x3FB0] =	sst s5  }
0xe: {  	[smem:$0x3FB1] =	sst s6  }
0xf: {  	[smem:$0x3FB2] =	sst s7  }
0x10: {  	[smem:$0x3FB3] =	sst s8  }
0x11: {  	[smem:$0x3FB4] =	sst s9;
	s0 =	simm.s32 @!p0 $0x0  }
0x12: {  	s1 =	sld [smem:$0x3F9A];
	s0 =	simm.s32 @p0 $0x1  }
0x13: {  	[smem:$0x3FB5] =	sst s0;
	s0 =	simm.s32 @!p1 $0x0  }
0x14: {  	s2 =	sld [smem:$0x3F99];
	s0 =	simm.s32 @p1 $0x1  }
0x15: {  	[smem:$0x3FB6] =	sst s0;
	s0 =	simm.s32 @!p2 $0x0  }
0x16: {  	s3 =	sld [smem:$0x3FDB];
	s0 =	simm.s32 @p2 $0x1  }
0x17: {  	s4 =	simm.s32 $0x1BF5;
	[smem:$0x3FB8] =	sst s0  }
0x18: {  	s0 =	sld [smem:$0x3F9B];
	_ =	swait.ge [sflag:s4], $0x0  }
0x19: {  	s7 =	sld [smem:$0x3F9C]  }
0x1a: {  	s8 =	sadd.s32 $0xFFFFE003, lr  }
0x1b: {  	s9 =	sadd.s32 $0xFFFFFEF7, lr;
	s5 =	simm.s32 $0xFFFFFFFF;
	p2 =	slt.u32 s8, $0xFFFFF086  }
0x1c: {  	p1 =	slt.u32 s9, $0xF7A;
	s5 =	simm.s32 @!p2 $0x0  }
0x1d: {  	s5 =	simm.s32 @p1 $0x1;
	p0 =	seq.s32 s7, s2  }
0x1e: {  	s7 =	smul.u32 @!p0 $0xF7A, s2;
	p2 =	seq.s32 @!p0 s5, $0x0  }
0x1f: {  	s9 =	smul.u32 $0xF7A, s1;
	s8 =	simm.s32 @!p0 $0x1BF5;
	p2 =	por !p2, p0  }
0x20: {  	[sflag:s8] =	ssyncset.s32 @!p0 $0xFFFFF086;
	s6 =	sadd.s32 @!p0 s3, s7;
	s7 =	simm.s32 @!p0 $0x108  }
0x21: {  	s3 =	sadd.s32 s3, s9;
	s6 =	sadd.s32 @!p0 $0x88, s6;
	s7 =	simm.s32 @p2 $0x1082  }
0x22: {  	[simem:s7], [sflag:s8] =	dma.local @!p0 [hbm:s6], $0xF7A  }
0x23: {  	s9 =	sor.u32 $0xD0000000, s2;
	s6 =	simm.s32 $0x108;
	_ =	swait.ge @!p0 [sflag:s8], $0x0  }
0x24: {  	s3 =	sadd.s32 $0x88, s3;
	s6 =	simm.s32 @!p1 $0x1082;
	[sflag:s4] =	ssyncset.s32 $0xFFFFF086  }
0x25: {  	[simem:s6], [sflag:s4] =	dma.local [hbm:s3], $0xF7A  }
0x26: {  	[smem:$0x3F9C] =	sst s1;
	(tag) =	ssettag s2;
	_ =	strace s9  }
0x27: {  	s1 =	sld [smem:$0x3FAC]  }
0x28: {  	s2 =	sld [smem:$0x3FAD]  }
0x29: {  	s4 =	sld [smem:$0x3FAF]  }
0x2a: {  	p0 =	seq.s32 s5, $0x0;
	s5 =	sld [smem:$0x3FB0]  }
0x2b: {  	s6 =	sld [smem:$0x3FB1]  }
0x2c: {  	s7 =	sld [smem:$0x3FB2]  }
0x2d: {  	s3 =	simm.s32 $0x108;
	s8 =	sld [smem:$0x3FB3]  }
0x2e: {  	s3 =	simm.s32 @!p0 $0x1082;
	s9 =	sld [smem:$0x3FB4]  }
0x2f: {  	lr =	sadd.s32 s0, s3;
	s0 =	sld [smem:$0x3FAB]  }
0x30: {  	s3 =	sld [smem:$0x3FAE]  }
0x31: {  	[smem:$0x3FB7] =	sst s10  }
0x32: {  	s10 =	sld [smem:$0x3FB5];
	_ =	sdelay $0x3  }
0x33: {  	p0 =	seq.s32 s10, $0x1;
	s10 =	sld [smem:$0x3FB7];
	_ =	sdelay $0x3  }
0x34: {  	[smem:$0x3FB7] =	sst s10  }
0x35: {  	s10 =	sld [smem:$0x3FB6];
	_ =	sdelay $0x3  }
0x36: {  	p1 =	seq.s32 s10, $0x1;
	s10 =	sld [smem:$0x3FB7];
	_ =	sdelay $0x3  }
0x37: {  	[smem:$0x3FB7] =	sst s10  }
0x38: {  	s10 =	sld [smem:$0x3FB8]  }
0x39: {  	_ = 	snop;
	(pc) =	sbr.ind lr, $3  }
0x3a: {  	_ = 	snop  }
0x3b: {  	_ = 	snop  }
0x3c: {  	p2 =	seq.s32 s10, $0x1;
	s10 =	sld [smem:$0x3FB7]  }
0x3d: {  	_ =	shalt  }
0x3e: {  	_ =	shalt  }
0x3f: {  	_ =	shalt  }
0x40: {  	_ =	shalt  }
0x41: {  	_ =	shalt  }
0x42: {  	_ =	shalt  }
0x43: {  	_ =	shalt  }
0x44: {  	_ =	shalt  }
0x45: {  	_ =	shalt  }
0x46: {  	_ =	shalt  }
0x47: {  	_ =	shalt  }
0x48: {  	_ =	shalt  }
0x49: {  	_ =	shalt  }
0x4a: {  	_ =	shalt  }
0x4b: {  	_ =	shalt  }
0x4c: {  	_ =	shalt  }
0x4d: {  	_ =	shalt  }
0x4e: {  	_ =	shalt  }
0x4f: {  	_ =	shalt  }
0x50: {  	_ =	shalt  }
0x51: {  	_ =	shalt  }
0x52: {  	_ =	shalt  }
0x53: {  	_ =	shalt  }
0x54: {  	_ =	shalt  }
0x55: {  	_ =	shalt  }
0x56: {  	_ =	shalt  }
0x57: {  	_ =	shalt  }
0x58: {  	_ =	shalt  }
0x59: {  	_ =	shalt  }
0x5a: {  	_ =	shalt  }
0x5b: {  	_ =	shalt  }
0x5c: {  	_ =	shalt  }
0x5d: {  	_ =	shalt  }
0x5e: {  	_ =	shalt  }
0x5f: {  	_ =	shalt  }
0x60: {  	_ =	shalt  }
0x61: {  	_ =	shalt  }
0x62: {  	_ =	shalt  }
0x63: {  	_ =	shalt  }
0x64: {  	_ =	shalt  }
0x65: {  	_ =	shalt  }
0x66: {  	_ =	shalt  }
0x67: {  	_ =	shalt  }
0x68: {  	_ =	shalt  }
0x69: {  	_ =	shalt  }
0x6a: {  	_ =	shalt  }
0x6b: {  	_ =	shalt  }
0x6c: {  	_ =	shalt  }
0x6d: {  	_ =	shalt  }
0x6e: {  	_ =	shalt  }
0x6f: {  	_ =	shalt  }
0x70: {  	_ =	shalt  }
0x71: {  	_ =	shalt  }
0x72: {  	_ =	shalt  }
0x73: {  	_ =	shalt  }
0x74: {  	_ =	shalt  }
0x75: {  	_ =	shalt  }
0x76: {  	_ =	shalt  }
0x77: {  	_ =	shalt  }
0x78: {  	_ =	shalt  }
0x79: {  	_ =	shalt  }
0x7a: {  	_ =	shalt  }
0x7b: {  	_ =	shalt  }
0x7c: {  	_ =	shalt  }
0x7d: {  	_ =	shalt  }
0x7e: {  	_ =	shalt  }
0x7f: {  	_ =	shalt  }
0x80: {  	_ =	shalt  }
0x81: {  	_ =	shalt  }
0x82: {  	_ =	shalt  }
0x83: {  	_ =	shalt  }
0x84: {  	_ =	shalt  }
0x85: {  	_ =	shalt  }
0x86: {  	_ =	shalt  }
0x87: {  	_ =	shalt  }
.Lfunc_end0:
.L_simem_size_0:
called_computation_lowered:
.L_overlay_start_0:
0x88: {  	s2 =	sld [smem:$0x3FD9]  }
0x89: {  	s3 =	sld [smem:$0x3FFE];
	_ =	sdelay $0x1  }
0x8a: {  	s1 =	srdreg.scid  }
0x8b: {  	s0 =	sand.u32 $0x1, s1  }
0x8c: {  	s14 =	sshll.u32 s0, $0xA;
	s2 =	sadd.s32 s3, s2  }
0x8d: {  	s2 =	sadd.s32 s2, s14  }
0x8e: {  	[smem:$0x3FC3] =	sst s2  }
0x8f: {  	_ = 	snop  }
0x90: {  	s2 =	sld [smem:$0x3FD0];
	_ =	sdelay $0x2  }
0x91: {  	s15 =	simm.s32 $0xA;
	s4 =	simm.s32 $0x10  }
0x92: {  	[smem:s4], [sflag:s15] =	dma.local [hbm:s2], $0x1  }
0x93: {  	_ =	swait.eq [sflag:s15], $0x1  }
0x94: {  	[sflag:s15] =	ssyncset.done $0x0  }
0x95: {  	[sflag:s15] =	ssyncadd.s32 $0xFFFFFFFF  }
0x96: {  	s16 =	sld [smem:$0x10];
	(tm) =	ssettm $0x1  }
0x97: {  	s17 =	sld [smem:$0x3FFB];
	_ =	sdelay $0x3  }
0x98: {  	_ =	strace s17  }
0x99: {  	s3 =	sld [smem:$0x3FFC];
	_ =	sdelay $0x3  }
0x9a: {  	_ =	strace s3  }
0x9b: {  	s3 =	sld [smem:$0x3FFD];
	_ =	sdelay $0x3  }
0x9c: {  	_ =	strace s3  }
0x9d: {  	_ =	strace $0x8FFFFFFF  }
0x9e: {  	s18 =	sld [smem:$0x3FDB];
	_ =	sdelay $0x1  }
0x9f: {  	s19 =	simm.s32 $_scs_section_size  }
0xa0: {  	s5 =	simm.s32 $_size__tile_overlayer_lowered;
	s6 =	simm.s32 $_tile_overlayer_lowered  }
0xa1: {  	s22 =	simm.s32 $0x1BFF;
	s21 =	sshll.u32 s6, $0x1;
	s3 =	sadd.s32 s19, s18  }
0xa2: {  	s7 =	simm.s32 $0x0;
	s20 =	sshll.u32 s5, $0x1;
	s5 =	sadd.s32 s21, s3  }
0xa3: {  	[timem:s7], [sflag:s22] =	dma.local [hbm:s5], s20  }
0xa4: {  	_ =	swait.ge [sflag:s22], s20  }
0xa5: {  	s4 =	ssub.s32 $0x0, s20;
	[sflag:s22] =	ssyncset.done $0x0  }
0xa6: {  	[sflag:s22] =	ssyncadd.s32 s4;
	_ =	sdelay $0x1  }
0xa7: {  	s23 =	simm.s32 $0x1B8B  }
0xa8: {  	_ =	swait.ge [sflag:s23], $0x1  }
0xa9: {  	[sflag:s23] =	ssyncset.done $0x0  }
0xaa: {  	s25 =	simm.s32 $0x1B8E;
	s24 =	sld [smem:$0x3FFE];
	[sflag:s23] =	ssyncadd.s32 $0xFFFFFFFF  }
0xab: {  	s26 =	simm.s32 $execute0_lowered;
	[smem:$0x3FD2] =	sst s25  }
0xac: {  	s5 =	sshll.u32 s26, $0x1;
	_ =	strace $0x80000046;
	[dreg:$0x1] =	wrdreg $0xFFFFFFFF  }
0xad: {  	s28 =	simm.s32 $_size_execute0_lowered;
	s3 =	sadd.s32 s3, s5;
	[dreg:$0x0] =	wrdreg $0x0  }
0xae: {  	s5 =	sshll.u32 s28, $0x1;
	[dreg:$0x2] =	wrdreg s3  }
0xaf: {  	[dreg:$0x3] =	wrdreg s5  }
0xb0: {  	[dreg:$0x4] =	wrdreg $0xC0  }
0xb1: {  	_ =	task [dreg:s7], $0x5FFFF  }
0xb2: {  	[dreg:$0x1] =	wrdreg $0xFFFFFFFF  }
0xb3: {  	[dreg:$0x0] =	wrdreg $0x60  }
0xb4: {  	[dreg:$0x2] =	wrdreg s16  }
0xb5: {  	[dreg:$0x3] =	wrdreg s24  }
0xb6: {  	[dreg:$0x4] =	wrdreg $0x9  }
0xb7: {  	_ =	task.clear_ibuf [dreg:s7], $0x5FFFF;
	_ =	strace $0x90000046  }
0xb8: {  	s29 =	simm.s32 $0x9;
	_ =	strace $0x80000048  }
0xb9: {  	_ =	swait.ge [sflag:s29], $0x1  }
0xba: {  	[sflag:s29] =	ssyncadd.s32 $0xFFFFFFFF  }
0xbb: {  	_ =	strace $0x90000048  }
0xbc: {  	_ =	sfence  }
0xbd: {  	s30 =	sld [smem:$0x0];
	_ =	sdelay $0x2  }
0xbe: {  	s31 =	sshll.u32 s1, $0xD;
	s1 =	sshrl.u32 s1, $0x2  }
0xbf: {  	s3 =	sand.u32 $0x4000, s31;
	s1 =	sadd.s32 s1, s30  }
0xc0: {  	s0 =	sor.u32 s3, s0;
	s1 =	sshll.u32 s1, $0x11  }
0xc1: {  	s0 =	sor.u32 s1, s0  }
0xc2: {  	s0 =	sadd.s32 $0x8F2B, s0  }
0xc3: {  	[sflag:s0] =	ssyncadd.remote.s32 $0x1  }
0xc4: {  	_ =	sfence.sel $0xFFFF  }
0xc5: {  	[dreg:$0x0] =	wrdreg $0xFFFFFFFF;
	(pc) =	sbr.abs _section_cstart, $3  }
0xc6: {  	[dreg:$0x1] =	wrdreg $0xFFFFFFFF  }
0xc7: {  	_ =	task.clear_ibuf [dreg:s7], $0x2FFFF;
	_ =	strace $0x9FFFFFFF  }
0xc8: {  	(tm) =	ssettm $0x7FFFFFFF  }
0xc9: {  	_ =	shalt  }
tec
execute0_lowered:
.L_overlay_start_1:
0x0: {  	(tag) =	ssettag $0x1  }
0x1: {  	s4 =	rddreg [dreg:$0x0]  }
0x2: {  	s7 =	rddreg [dreg:$0x1];
	s2 =	srdreg.scid  }
0x3: {  	s0 =	rddreg [dreg:$0x2];
	s1 =	stileid.u32;
	s11 =	simm.s32 $0x80  }
0x4: {  	s12 =	simm.s32 $0x900;
	s13 =	simm.s32 $0xD00;
	s14 =	simm.s32 $0x1500  }
0x5: {  	s15 =	simm.s32 $0x1900;
	s16 =	simm.s32 $0x2100;
	s17 =	simm.s32 $0x2500  }
0x6: {  	s18 =	simm.s32 $0x2D00;
	s19 =	simm.s32 $0x3100;
	s20 =	simm.s32 $0x3900  }
0x7: {  	s21 =	simm.s32 $0x3D00;
	s22 =	simm.s32 $0x4500;
	s23 =	simm.s32 $0x4900  }
0x8: {  	s24 =	simm.s32 $0x5100;
	s25 =	simm.s32 $0x5500;
	s26 =	simm.s32 $0x5D00  }
0x9: {  	s28 =	simm.s32 $0x1;
	s3 =	sand.u32 $0x1, s2;
	s2 =	simm.s32 $0x0  }
0xa: {  	s5 =	sshll.u32 s1, $0x4;
	s6 =	sshll.u32 s3, $0x3;
	[smem:$0x7FF] =	sst s2  }
0xb: {  	s31 =	ssub.s32 $0x2, s3;
	s3 =	sadd.s32 $0x12200, s7;
	s5 =	sor.u32 s6, s5  }
0xc: {  	_ =	strace $0x80000047;
	s8 =	sshrl.u32 s31, $0x1;
	s9 =	smul.u32 $0x180, s5  }
0xd: {  	v2 =	vlaneseq.u32;
	s10 =	sadd.s32 s5, s7;
	s8 =	ssub.s32 s31, s8;
	s7 =	sadd.s32 $0x12300, s7  }
0xe: {  	vm0 =	vmmov $0xffff;
	vm1 =	vmmov $0xff;
	v1 =	vshrl.u32 v2, $0x3;
	s5 =	sadd.s32 $0x11E00, s10;
	s6 =	sadd.s32 $0x12000, s10;
	s8 =	smax.u32 s8, $0x1  }
0xf: {  	v0 =	vand.u32 $0x7, v2;
	v2 =	vor.u32 $0x8, v2;
	v1 =	vmul.u32 $0x8, v1;
	s10 =	simm.s32 $0x2;
	s4 =	sadd.s32 s4, s9;
	s9 =	simm.s32 $0x100  }
.LBB2_1:
0x10: {  	[tilespmem:s9], [sflag:$0x2] =	stream.linear.gather [hbm4b:s4+s2], $0x6000, $0x38;
	[tilespmem:$0x6100] =	vst v63  }
0x11: {  	_ =	swait.ge [sflag:s10], $0x6000  }
0x12: {  	[sflag:s10] =	ssyncset.done $0x0  }
0x13: {  	[sflag:s10] =	ssyncadd.s32 $0xFFFFA000  }
0x14: {  	[tilespmem:s2], [sflag:$0x2] =	stream.linear.gather [hbm4b:s5+s2], $0x40, $0x38;
	[tilespmem:$0x6100] =	vst v63  }
0x15: {  	_ =	swait.ge [sflag:s10], $0x40  }
0x16: {  	[sflag:s10] =	ssyncset.done $0x0  }
0x17: {  	[sflag:s10] =	ssyncadd.s32 $0xFFFFFFC0  }
0x18: {  	[tilespmem:s11], [sflag:$0x2] =	stream.linear.gather [hbm4b:s6+s2], $0x40, $0x38;
	[tilespmem:$0x6100] =	vst v63  }
0x19: {  	_ =	swait.ge [sflag:s10], $0x40  }
0x1a: {  	[sflag:s10] =	ssyncset.done $0x0  }
0x1b: {  	[sflag:s10] =	ssyncadd.s32 $0xFFFFFFC0  }
0x1c: {  	v3 =	vld [tilespmem:$0x0];
	_ =	sdelay $0x4  }
0x1d: {  	v4 =	vshrl.u32 v3, $0x3  }
0x1e: {  	v4 =	vmul.u32 $0x18, v4  }
0x1f: {  	v3 =	vand.u32 $0x7, v3  }
0x20: {  	v3 =	vor.u32 v3, v4  }
0x21: {  	v4 =	vperm.xlane v3, v0;
	_ =	sdelay $0x1  }
0x22: {  	v4 =	vadd.s32 v1, v4;
	_ =	sdelay $0x1  }
0x23: {  	v3 =	vperm.xlane v3, v2;
	_ =	sdelay $0x1  }
0x24: {  	v3 =	vadd.s32 v1, v3  }
0x25: {  	[hbm4b:s3+s2] =	stream.indirect_vreg.scatter [tilespmem:s9], [sflag:$0x1], $0x80, v4, vm0, $0xb8;
	[tilespmem:$0x6100] =	vst v63  }
0x26: {  	_ = 	snop  }
0x27: {  	[hbm4b:s7+s2] =	stream.indirect_vreg.scatter [tilespmem:s12], [sflag:$0x1], $0x80, v4, vm1, $0xb8;
	[tilespmem:$0x6100] =	vst v63  }
0x28: {  	_ = 	snop  }
0x29: {  	[hbm4b:s3+s2] =	stream.indirect_vreg.scatter [tilespmem:s13], [sflag:$0x1], $0x80, v3, vm0, $0xb8;
	[tilespmem:$0x6100] =	vst v63  }
0x2a: {  	_ = 	snop  }
0x2b: {  	[hbm4b:s7+s2] =	stream.indirect_vreg.scatter [tilespmem:s14], [sflag:$0x1], $0x80, v3, vm1, $0xb8;
	[tilespmem:$0x6100] =	vst v63  }
0x2c: {  	v3 =	vld [tilespmem:$0x10];
	_ =	sdelay $0x4  }
0x2d: {  	v57 =	vshrl.u32 v3, $0x3  }
0x2e: {  	v4 =	vmul.u32 $0x18, v57  }
0x2f: {  	v3 =	vand.u32 $0x7, v3  }
0x30: {  	v3 =	vor.u32 v3, v4  }
0x31: {  	v4 =	vperm.xlane v3, v0;
	_ =	sdelay $0x1  }
0x32: {  	v4 =	vadd.s32 v1, v4;
	_ =	sdelay $0x1  }
0x33: {  	v3 =	vperm.xlane v3, v2;
	_ =	sdelay $0x1  }
0x34: {  	v3 =	vadd.s32 v1, v3  }
0x35: {  	[hbm4b:s3+s2] =	stream.indirect_vreg.scatter [tilespmem:s15], [sflag:$0x1], $0x80, v4, vm0, $0xb8;
	[tilespmem:$0x6100] =	vst v63  }
0x36: {  	_ = 	snop  }
0x37: {  	[hbm4b:s7+s2] =	stream.indirect_vreg.scatter [tilespmem:s16], [sflag:$0x1], $0x80, v4, vm1, $0xb8;
	[tilespmem:$0x6100] =	vst v63  }
0x38: {  	_ = 	snop  }
0x39: {  	[hbm4b:s3+s2] =	stream.indirect_vreg.scatter [tilespmem:s17], [sflag:$0x1], $0x80, v3, vm0, $0xb8;
	[tilespmem:$0x6100] =	vst v63  }
0x3a: {  	_ = 	snop  }
0x3b: {  	[hbm4b:s7+s2] =	stream.indirect_vreg.scatter [tilespmem:s18], [sflag:$0x1], $0x80, v3, vm1, $0xb8;
	[tilespmem:$0x6100] =	vst v63  }
0x3c: {  	v3 =	vld [tilespmem:$0x20];
	_ =	sdelay $0x4  }
0x3d: {  	v58 =	vshrl.u32 v3, $0x3  }
0x3e: {  	v4 =	vmul.u32 $0x18, v58  }
0x3f: {  	v3 =	vand.u32 $0x7, v3  }
0x40: {  	v3 =	vor.u32 v3, v4  }
0x41: {  	v4 =	vperm.xlane v3, v0;
	_ =	sdelay $0x1  }
0x42: {  	v4 =	vadd.s32 v1, v4;
	_ =	sdelay $0x1  }
0x43: {  	v3 =	vperm.xlane v3, v2;
	_ =	sdelay $0x1  }
0x44: {  	v3 =	vadd.s32 v1, v3  }
0x45: {  	[hbm4b:s3+s2] =	stream.indirect_vreg.scatter [tilespmem:s19], [sflag:$0x1], $0x80, v4, vm0, $0xb8;
	[tilespmem:$0x6100] =	vst v63  }
0x46: {  	_ = 	snop  }
0x47: {  	[hbm4b:s7+s2] =	stream.indirect_vreg.scatter [tilespmem:s20], [sflag:$0x1], $0x80, v4, vm1, $0xb8;
	[tilespmem:$0x6100] =	vst v63  }
0x48: {  	_ = 	snop  }
0x49: {  	[hbm4b:s3+s2] =	stream.indirect_vreg.scatter [tilespmem:s21], [sflag:$0x1], $0x80, v3, vm0, $0xb8;
	[tilespmem:$0x6100] =	vst v63  }
0x4a: {  	_ = 	snop  }
0x4b: {  	[hbm4b:s7+s2] =	stream.indirect_vreg.scatter [tilespmem:s22], [sflag:$0x1], $0x80, v3, vm1, $0xb8;
	[tilespmem:$0x6100] =	vst v63  }
0x4c: {  	v3 =	vld [tilespmem:$0x30];
	_ =	sdelay $0x4  }
0x4d: {  	v59 =	vshrl.u32 v3, $0x3  }
0x4e: {  	v4 =	vmul.u32 $0x18, v59  }
0x4f: {  	v3 =	vand.u32 $0x7, v3  }
0x50: {  	v3 =	vor.u32 v3, v4  }
0x51: {  	v4 =	vperm.xlane v3, v0;
	_ =	sdelay $0x1  }
0x52: {  	v4 =	vadd.s32 v1, v4;
	_ =	sdelay $0x1  }
0x53: {  	v3 =	vperm.xlane v3, v2;
	_ =	sdelay $0x1  }
0x54: {  	v3 =	vadd.s32 v1, v3  }
0x55: {  	[hbm4b:s3+s2] =	stream.indirect_vreg.scatter [tilespmem:s23], [sflag:$0x1], $0x80, v4, vm0, $0xb8;
	[tilespmem:$0x6100] =	vst v63  }
0x56: {  	_ = 	snop  }
0x57: {  	[hbm4b:s7+s2] =	stream.indirect_vreg.scatter [tilespmem:s24], [sflag:$0x1], $0x80, v4, vm1, $0xb8;
	[tilespmem:$0x6100] =	vst v63  }
0x58: {  	_ = 	snop  }
0x59: {  	[hbm4b:s3+s2] =	stream.indirect_vreg.scatter [tilespmem:s25], [sflag:$0x1], $0x80, v3, vm0, $0xb8;
	[tilespmem:$0x6100] =	vst v63  }
0x5a: {  	_ = 	snop  }
0x5b: {  	[hbm4b:s7+s2] =	stream.indirect_vreg.scatter [tilespmem:s26], [sflag:$0x1], $0x80, v3, vm1, $0xb8;
	[tilespmem:$0x6100] =	vst v63  }
0x5c: {  	_ =	swait.ge [sflag:s28], $0x6000  }
0x5d: {  	[sflag:s28] =	ssyncset.done $0x0  }
0x5e: {  	[sflag:s28] =	ssyncadd.s32 $0xFFFFA000  }
0x5f: {  	v3 =	vld [tilespmem:$0x80];
	_ =	sdelay $0x4  }
0x60: {  	v60 =	vshrl.u32 v3, $0x3  }
0x61: {  	v4 =	vmul.u32 $0x18, v60  }
0x62: {  	v3 =	vand.u32 $0x7, v3  }
0x63: {  	v3 =	vor.u32 v3, v4  }
0x64: {  	v4 =	vperm.xlane v3, v0;
	_ =	sdelay $0x1  }
0x65: {  	v4 =	vadd.s32 v1, v4;
	_ =	sdelay $0x1  }
0x66: {  	v3 =	vperm.xlane v3, v2;
	_ =	sdelay $0x1  }
0x67: {  	v3 =	vadd.s32 v1, v3  }
0x68: {  	[hbm4b:s3+s2] =	stream.indirect_vreg.scatter [tilespmem:s9], [sflag:$0x1], $0x80, v4, vm0, $0xb8;
	[tilespmem:$0x6100] =	vst v63  }
0x69: {  	_ = 	snop  }
0x6a: {  	[hbm4b:s7+s2] =	stream.indirect_vreg.scatter [tilespmem:s12], [sflag:$0x1], $0x80, v4, vm1, $0xb8;
	[tilespmem:$0x6100] =	vst v63  }
0x6b: {  	_ = 	snop  }
0x6c: {  	[hbm4b:s3+s2] =	stream.indirect_vreg.scatter [tilespmem:s13], [sflag:$0x1], $0x80, v3, vm0, $0xb8;
	[tilespmem:$0x6100] =	vst v63  }
0x6d: {  	_ = 	snop  }
0x6e: {  	[hbm4b:s7+s2] =	stream.indirect_vreg.scatter [tilespmem:s14], [sflag:$0x1], $0x80, v3, vm1, $0xb8;
	[tilespmem:$0x6100] =	vst v63  }
0x6f: {  	v3 =	vld [tilespmem:$0x90];
	_ =	sdelay $0x4  }
0x70: {  	v61 =	vshrl.u32 v3, $0x3  }
0x71: {  	v4 =	vmul.u32 $0x18, v61  }
0x72: {  	v3 =	vand.u32 $0x7, v3  }
0x73: {  	v3 =	vor.u32 v3, v4  }
0x74: {  	v4 =	vperm.xlane v3, v0;
	_ =	sdelay $0x1  }
0x75: {  	v4 =	vadd.s32 v1, v4;
	_ =	sdelay $0x1  }
0x76: {  	v3 =	vperm.xlane v3, v2;
	_ =	sdelay $0x1  }
0x77: {  	v3 =	vadd.s32 v1, v3  }
0x78: {  	[hbm4b:s3+s2] =	stream.indirect_vreg.scatter [tilespmem:s15], [sflag:$0x1], $0x80, v4, vm0, $0xb8;
	[tilespmem:$0x6100] =	vst v63  }
0x79: {  	_ = 	snop  }
0x7a: {  	[hbm4b:s7+s2] =	stream.indirect_vreg.scatter [tilespmem:s16], [sflag:$0x1], $0x80, v4, vm1, $0xb8;
	[tilespmem:$0x6100] =	vst v63  }
0x7b: {  	_ = 	snop  }
0x7c: {  	[hbm4b:s3+s2] =	stream.indirect_vreg.scatter [tilespmem:s17], [sflag:$0x1], $0x80, v3, vm0, $0xb8;
	[tilespmem:$0x6100] =	vst v63  }
0x7d: {  	_ = 	snop  }
0x7e: {  	[hbm4b:s7+s2] =	stream.indirect_vreg.scatter [tilespmem:s18], [sflag:$0x1], $0x80, v3, vm1, $0xb8;
	[tilespmem:$0x6100] =	vst v63  }
0x7f: {  	v3 =	vld [tilespmem:$0xA0];
	_ =	sdelay $0x4  }
0x80: {  	v62 =	vshrl.u32 v3, $0x3  }
0x81: {  	v4 =	vmul.u32 $0x18, v62  }
0x82: {  	v3 =	vand.u32 $0x7, v3  }
0x83: {  	v3 =	vor.u32 v3, v4  }
0x84: {  	v4 =	vperm.xlane v3, v0;
	_ =	sdelay $0x1  }
0x85: {  	v4 =	vadd.s32 v1, v4;
	_ =	sdelay $0x1  }
0x86: {  	v3 =	vperm.xlane v3, v2;
	_ =	sdelay $0x1  }
0x87: {  	v3 =	vadd.s32 v1, v3  }
0x88: {  	[hbm4b:s3+s2] =	stream.indirect_vreg.scatter [tilespmem:s19], [sflag:$0x1], $0x80, v4, vm0, $0xb8;
	[tilespmem:$0x6100] =	vst v63  }
0x89: {  	_ = 	snop  }
0x8a: {  	[hbm4b:s7+s2] =	stream.indirect_vreg.scatter [tilespmem:s20], [sflag:$0x1], $0x80, v4, vm1, $0xb8;
	[tilespmem:$0x6100] =	vst v63  }
0x8b: {  	_ = 	snop  }
0x8c: {  	[hbm4b:s3+s2] =	stream.indirect_vreg.scatter [tilespmem:s21], [sflag:$0x1], $0x80, v3, vm0, $0xb8;
	[tilespmem:$0x6100] =	vst v63  }
0x8d: {  	_ = 	snop  }
0x8e: {  	[hbm4b:s7+s2] =	stream.indirect_vreg.scatter [tilespmem:s22], [sflag:$0x1], $0x80, v3, vm1, $0xb8;
	[tilespmem:$0x6100] =	vst v63  }
0x8f: {  	v3 =	vld [tilespmem:$0xB0];
	_ =	sdelay $0x4  }
0x90: {  	v63 =	vshrl.u32 v3, $0x3  }
0x91: {  	v4 =	vmul.u32 $0x18, v63  }
0x92: {  	v3 =	vand.u32 $0x7, v3  }
0x93: {  	v3 =	vor.u32 v3, v4  }
0x94: {  	v4 =	vperm.xlane v3, v0;
	_ =	sdelay $0x1  }
0x95: {  	v4 =	vadd.s32 v1, v4;
	_ =	sdelay $0x1  }
0x96: {  	v3 =	vperm.xlane v3, v2;
	_ =	sdelay $0x1  }
0x97: {  	v3 =	vadd.s32 v1, v3  }
0x98: {  	[hbm4b:s3+s2] =	stream.indirect_vreg.scatter [tilespmem:s23], [sflag:$0x1], $0x80, v4, vm0, $0xb8;
	[tilespmem:$0x6100] =	vst v63  }
0x99: {  	_ = 	snop  }
0x9a: {  	[hbm4b:s7+s2] =	stream.indirect_vreg.scatter [tilespmem:s24], [sflag:$0x1], $0x80, v4, vm1, $0xb8;
	[tilespmem:$0x6100] =	vst v63  }
0x9b: {  	p0 =	sne.s32 s8, $0x1  }
0x9c: {  	[hbm4b:s3+s2] =	stream.indirect_vreg.scatter [tilespmem:s25], [sflag:$0x1], $0x80, v3, vm0, $0xb8;
	[tilespmem:$0x6100] =	vst v63  }
.Ltmp0:
0x9d: {  	_ = 	snop;
	(pc) =	sbr.rel @p0 .LBB2_1-.Ltmp0, $4  }
0x9e: {  	[hbm4b:s7+s2] =	stream.indirect_vreg.scatter [tilespmem:s26], [sflag:$0x1], $0x80, v3, vm1, $0xb8;
	[tilespmem:$0x6100] =	vst v63  }
0x9f: {  	_ =	swait.ge [sflag:s28], $0x6000  }
0xa0: {  	[sflag:s28] =	ssyncset.done $0x0  }
0xa1: {  	s8 =	sadd.s32 $0xFFFFFFFF, s8;
	[sflag:s28] =	ssyncadd.s32 $0xFFFFA000  }
0xa2: {  	_ =	sfence.sel $0x180000  }
0xa3: {  	[bflag:$0x0] =	sbarrier.arrive $0xFFFF  }
0xa4: {  	p0 =	sne.s32 s1, $0x0;
	_ =	strace $0x90000047  }
0xa5: {  	s0 =	sadd.s32 @!p0 $0x100000, s0;
	[bflag:$0x2] =	sbarrier.arrive $0xFFFF  }
0xa6: {  	[sflag:s0] =	ssyncadd.tile.s32 @!p0 $0x1;
	_ =	shalt  }
.Lfunc_end2:
_tile_overlayer_lowered:
.L_overlay_start_2:
0xa7: {  	(tag) =	ssettag $0x2  }
0xa8: {  	s0 =	rddreg [dreg:$0x0];
	s2 =	stileid.u32  }
0xa9: {  	s1 =	rddreg [dreg:$0x1];
	p0 =	sne.s32 s2, $0x0  }
0xaa: {  	s3 =	rddreg [dreg:$0x2];
	[bflag:$0x3] =	sbarrier.arrive $0xFFFF;
	s2 =	simm.s32 @!p0 $0x1C02  }
0xab: {  	[timem:s3], [sflag:s2] =	dma.local @!p0 [hbm:s0], s1  }
0xac: {  	s0 =	simm.s32 @!p0 $0x2  }
0xad: {  	_ =	swait.ge @!p0 [sflag:s0], s1  }
0xae: {  	s1 =	ssub.s32 @!p0 $0x0, s1;
	[sflag:s0] =	ssyncset.done @!p0 $0x0  }
0xaf: {  	[sflag:s0] =	ssyncadd.s32 @!p0 s1  }
0xb0: {  	[bflag:$0x3] =	sbarrier.arrive $0xFFFF  }
0xb1: {  	_ =	shalt  }

</sc_bundles>
